<compile_context>
chip_gen: v7x
topology: tpu7x:2x2x1
jax: 0.10.2.dev20260603
libtpu: 0.0.44.dev20260713+nightly
codegen_flags: <defaults>
</compile_context>

<pallas_src>
import jax
import jax.numpy as jnp
from jax import lax
from jax.experimental import pallas as pl
from jax.experimental.pallas import tpu as pltpu
from jax.experimental.pallas import tpu_sc as plsc

N = 10000
NPAD = 10240
D = 128
DH = D // 2
E = 320000
NC = 2
NS = 16
EPW = E // NS
CH = 80
NCHUNK = EPW // CH
RPT = NPAD // NS
RCH = 128
NRC = RPT // RCH
DPAD = 10240
DPT = DPAD // NS


def _sc_body(feat_a, feat_b, srcr, dstr, acc_out, deg_out,
             src_v, dst_v, rows_v, zbuf, zdeg, ones_v, acc_sh, deg_sh, sem):
    c = lax.axis_index("c")
    s = lax.axis_index("s")

    zv = jnp.zeros((16,), jnp.float32)

    def zb_row(r, carry):
        for k in range(DH // 16):
            zbuf[r, pl.ds(k * 16, 16)] = zv
        return carry

    lax.fori_loop(0, RCH, zb_row, 0)

    def zd_row(i, carry):
        zdeg[pl.ds(i * 16, 16)] = zv
        return carry

    lax.fori_loop(0, DPT // 16, zd_row, 0)

    ov = jnp.ones((16,), jnp.float32)
    for k in range(CH // 16):
        ones_v[pl.ds(k * 16, 16)] = ov

    for k in range(NRC):
        pltpu.sync_copy(zbuf, acc_sh.at[pl.ds(s * RPT + k * RCH, RCH)])
    pltpu.sync_copy(zdeg, deg_sh.at[pl.ds(s * DPT, DPT)])
    plsc.subcore_barrier()

    pltpu.sync_copy(srcr.at[s], src_v)
    pltpu.sync_copy(dstr.at[s], dst_v)

    def edge_loop(feat):
        def step(j, carry):
            pltpu.async_copy(feat.at[src_v.at[j]], rows_v, sem).wait()
            pltpu.sync_copy(rows_v, acc_sh.at[dst_v.at[j]], add=True)
            return carry

        lax.fori_loop(0, NCHUNK, step, 0)

    @pl.when(c == 0)
    def _():
        edge_loop(feat_a)

        def dstep(j, carry):
            pltpu.sync_copy(ones_v, deg_sh.at[dst_v.at[j]], add=True)
            return carry

        lax.fori_loop(0, NCHUNK, dstep, 0)

    @pl.when(c == 1)
    def _():
        edge_loop(feat_b)

    plsc.subcore_barrier()

    for k in range(NRC):
        r0 = s * RPT + k * RCH
        pltpu.sync_copy(acc_sh.at[pl.ds(r0, RCH)], zbuf)
        pltpu.sync_copy(zbuf, acc_out.at[c, pl.ds(r0, RCH)])

    @pl.when(c == 0)
    def _():
        pltpu.sync_copy(deg_sh.at[pl.ds(s * DPT, DPT)], zdeg)
        pltpu.sync_copy(zdeg, deg_out.at[pl.ds(s * DPT, DPT)])


_sc_agg = pl.kernel(
    _sc_body,
    out_type=(jax.ShapeDtypeStruct((NC, NPAD, DH), jnp.float32),
              jax.ShapeDtypeStruct((DPAD,), jnp.float32)),
    mesh=plsc.VectorSubcoreMesh(core_axis_name="c", subcore_axis_name="s"),
    scratch_types=[
        pltpu.VMEM((NCHUNK, CH), jnp.int32),
        pltpu.VMEM((NCHUNK, CH), jnp.int32),
        pltpu.VMEM((CH, DH), jnp.float32),
        pltpu.VMEM((RCH, DH), jnp.float32),
        pltpu.VMEM((DPT,), jnp.float32),
        pltpu.VMEM((CH,), jnp.float32),
        pltpu.VMEM_SHARED((NPAD, DH), jnp.float32),
        pltpu.VMEM_SHARED((DPAD,), jnp.float32),
        pltpu.SemaphoreType.DMA,
    ],
    compiler_params=pltpu.CompilerParams(use_tc_tiling_on_sc=False),
)


def _tc_body(x_ref, p_ref, d_ref, ws_ref, wna_ref, wnb_ref, b_ref, o_ref):
    x = x_ref[...]
    scale = 1.0 / jnp.maximum(d_ref[...], 1.0)
    ha = p_ref[0, :N] * scale
    hb = p_ref[1, :N] * scale
    dims = (((1,), (1,)), ((), ()))
    o_ref[...] = (
        lax.dot_general(x, ws_ref[...], dims,
                        preferred_element_type=jnp.float32)
        + lax.dot_general(ha, wna_ref[...], dims,
                          preferred_element_type=jnp.float32)
        + lax.dot_general(hb, wnb_ref[...], dims,
                          preferred_element_type=jnp.float32)
        + b_ref[...]
    )


_tc_combine = pl.pallas_call(
    _tc_body,
    out_shape=jax.ShapeDtypeStruct((N, D), jnp.float32),
)


def kernel(features, edge_index, W_self, W_neigh, b):
    src = edge_index[0].astype(jnp.int32).reshape(NS, NCHUNK, CH)
    dst = edge_index[1].astype(jnp.int32).reshape(NS, NCHUNK, CH)
    feat_a = features[:, :DH]
    feat_b = features[:, DH:]
    acc, deg = _sc_agg(feat_a, feat_b, src, dst)
    return _tc_combine(features, acc, deg[:N].reshape(N, 1), W_self,
                       W_neigh[:, :DH], W_neigh[:, DH:], b.reshape(1, D))

# --- scband reference (transcript-rebuilt; emitter-appended) ---
"""Pipeline reference for scband-graph-sage-12893491822859 (READ-ONLY COPY).

The authoritative reference and input builder live on the scoring server;
editing this copy changes nothing except your own understanding.
"""

import jax, jax.numpy as jnp
import numpy as np

N_NODES = 10000
N_EDGES = 320000
IN_DIM = 128
HIDDEN_DIM = 128

def setup_inputs(seed: int = 0) -> dict:
    key = jax.random.key(seed)
    k1, k2, k3, k4, k5 = jax.random.split(key, 5)
    features = jax.random.normal(k1, (N_NODES, IN_DIM), dtype=jnp.float32)
    edge_index = jax.random.randint(k2, (2, N_EDGES), 0, N_NODES, dtype=jnp.int64)
    # DGL SAGEConv('mean') params: fc_self (no bias), fc_neigh (no bias), bias vector
    scale = 1.0 / np.sqrt(IN_DIM)
    W_self = jax.random.uniform(k3, (HIDDEN_DIM, IN_DIM), dtype=jnp.float32, minval=-scale, maxval=scale)
    W_neigh = jax.random.uniform(k4, (HIDDEN_DIM, IN_DIM), dtype=jnp.float32, minval=-scale, maxval=scale)
    b = jnp.zeros((HIDDEN_DIM,), dtype=jnp.float32)
    return {"features": features, "edge_index": edge_index, "W_self": W_self, "W_neigh": W_neigh, "b": b}

def reference(features, edge_index, W_self, W_neigh, b):
    # GraphSAGE with mean aggregator (DGL SAGEConv semantics):
    # h_neigh[v] = mean_{u in N(v)} x[u];  out = x @ W_self^T + h_neigh @ W_neigh^T + b
    src = edge_index[0]
    dst = edge_index[1]
    msg = jnp.take(features, src, axis=0)                       # gather [E, d]
    agg = jax.ops.segment_sum(msg, dst, num_segments=N_NODES)    # scatter-add [N, d]
    deg = jax.ops.segment_sum(jnp.ones((msg.shape[0],), dtype=features.dtype), dst, num_segments=N_NODES)
    h_neigh = agg / jnp.clip(deg, 1.0, None)[:, None]            # mean (isolated nodes -> 0)
    out = features @ W_self.T + h_neigh @ W_neigh.T + b
    return out

if __name__ == "__main__":
    import jax
    _d = setup_inputs()
    print(jax.jit(kernel)(*tuple(_d.values())))

</pallas_src>

<mosaic_0001>
#map = affine_map<(d0, d1) -> (0, 0)>
#map1 = affine_map<(d0, d1) -> (0, 0, 0)>
#map2 = affine_map<(d0, d1) -> (0)>
module attributes {stable_mosaic.version = 14 : i64} {
  func.func @_sc_body(%arg0: i32, %arg1: i32, %arg2: memref<10000x64xf32, #tpu.memory_space<hbm>>, %arg3: memref<10000x64xf32, #tpu.memory_space<hbm>>, %arg4: memref<16x250x80xi32, #tpu.memory_space<hbm>>, %arg5: memref<16x250x80xi32, #tpu.memory_space<hbm>>, %arg6: memref<2x10240x64xf32, #tpu.memory_space<hbm>>, %arg7: memref<10240xf32, #tpu.memory_space<hbm>>, %arg8: memref<250x80xi32, #tpu.memory_space<vmem>>, %arg9: memref<250x80xi32, #tpu.memory_space<vmem>>, %arg10: memref<80x64xf32, #tpu.memory_space<vmem>>, %arg11: memref<128x64xf32, #tpu.memory_space<vmem>>, %arg12: memref<640xf32, #tpu.memory_space<vmem>>, %arg13: memref<80xf32, #tpu.memory_space<vmem>>, %arg14: memref<10240x64xf32, #tpu.memory_space<vmem_shared>>, %arg15: memref<10240xf32, #tpu.memory_space<vmem_shared>>, %arg16: memref<!tpu.dma_semaphore, #tpu.memory_space<semaphore_mem>>) attributes {dimension_semantics = [#tpu.dimension_semantics<core_parallel>, #tpu.dimension_semantics<subcore_parallel>], iteration_bounds = array<i64: 2, 16>, scalar_prefetch = 0 : i64, scratch_operands = 9 : i64, tpu.core_type = #tpu.core_type<sc_vector_subcore>, window_params = [{transform_indices = #map}, {transform_indices = #map}, {transform_indices = #map1}, {transform_indices = #map1}, {transform_indices = #map1}, {transform_indices = #map2}]} {
    %broadcast_in_dim3A = arith.constant 0.000000e+00 : f32
    %broadcast_in_dim3A_0 = vector.broadcast %broadcast_in_dim3A : f32 to vector<16xf32>
    %scan3A = arith.constant 0 : i32
    %scan3A_1 = arith.constant 0 : i32
    %scan3A_2 = arith.constant 128 : i32
    %scan3A_3 = arith.addi %scan3A_1, %scan3A_2 : i32
    %scan3A_4 = arith.constant 1 : i32
    scf.for %scan3A_86 = %scan3A_1 to %scan3A_3 step %scan3A_4  : i32 {
      %swap3A_87 = arith.index_cast %scan3A_86 : i32 to index
      %swap3A_88 = arith.constant 0 : index
      %swap3A_89 = tpu.vector_load %arg11[%swap3A_87, %swap3A_88] {strides = array<i32>} : memref<128x64xf32, #tpu.memory_space<vmem>>, vector<1x16xf32>,
      %swap3A_90 = vector.shape_cast %swap3A_89 : vector<1x16xf32> to vector<16xf32>
      %swap3A_91 = vector.shape_cast %broadcast_in_dim3A_0 : vector<16xf32> to vector<1x16xf32>
      tpu.vector_store %arg11[%swap3A_87, %swap3A_88], %swap3A_91 {strides = array<i32>} : memref<128x64xf32, #tpu.memory_space<vmem>>, vector<1x16xf32>,
      %swap3A_92 = arith.index_cast %scan3A_86 : i32 to index
      %swap3A_93 = arith.constant 16 : index
      %swap3A_94 = tpu.vector_load %arg11[%swap3A_92, %swap3A_93] {strides = array<i32>} : memref<128x64xf32, #tpu.memory_space<vmem>>, vector<1x16xf32>,
      %swap3A_95 = vector.shape_cast %swap3A_94 : vector<1x16xf32> to vector<16xf32>
      %swap3A_96 = vector.shape_cast %broadcast_in_dim3A_0 : vector<16xf32> to vector<1x16xf32>
      tpu.vector_store %arg11[%swap3A_92, %swap3A_93], %swap3A_96 {strides = array<i32>} : memref<128x64xf32, #tpu.memory_space<vmem>>, vector<1x16xf32>,
      %swap3A_97 = arith.index_cast %scan3A_86 : i32 to index
      %swap3A_98 = arith.constant 32 : index
      %swap3A_99 = tpu.vector_load %arg11[%swap3A_97, %swap3A_98] {strides = array<i32>} : memref<128x64xf32, #tpu.memory_space<vmem>>, vector<1x16xf32>,
      %swap3A_100 = vector.shape_cast %swap3A_99 : vector<1x16xf32> to vector<16xf32>
      %swap3A_101 = vector.shape_cast %broadcast_in_dim3A_0 : vector<16xf32> to vector<1x16xf32>
      tpu.vector_store %arg11[%swap3A_97, %swap3A_98], %swap3A_101 {strides = array<i32>} : memref<128x64xf32, #tpu.memory_space<vmem>>, vector<1x16xf32>,
      %swap3A_102 = arith.index_cast %scan3A_86 : i32 to index
      %swap3A_103 = arith.constant 48 : index
      %swap3A_104 = tpu.vector_load %arg11[%swap3A_102, %swap3A_103] {strides = array<i32>} : memref<128x64xf32, #tpu.memory_space<vmem>>, vector<1x16xf32>,
      %swap3A_105 = vector.shape_cast %swap3A_104 : vector<1x16xf32> to vector<16xf32>
      %swap3A_106 = vector.shape_cast %broadcast_in_dim3A_0 : vector<16xf32> to vector<1x16xf32>
      tpu.vector_store %arg11[%swap3A_102, %swap3A_103], %swap3A_106 {strides = array<i32>} : memref<128x64xf32, #tpu.memory_space<vmem>>, vector<1x16xf32>,
    }
    %scan3A_5 = arith.constant 128 : i32
    %scan3A_6 = arith.constant 0 : i32
    %scan3A_7 = arith.constant 0 : i32
    %scan3A_8 = arith.constant 40 : i32
    %scan3A_9 = arith.addi %scan3A_7, %scan3A_8 : i32
    %scan3A_10 = arith.constant 1 : i32
    scf.for %scan3A_86 = %scan3A_7 to %scan3A_9 step %scan3A_10  : i32 {
      %mul3A_87 = arith.constant 16 : i32
      %mul3A_88 = arith.muli %scan3A_86, %mul3A_87 : i32
      %swap3A_89 = arith.index_cast %mul3A_88 : i32 to index
      %swap3A_90 = tpu.vector_load %arg12[%swap3A_89] {strides = array<i32>} : memref<640xf32, #tpu.memory_space<vmem>>, vector<16xf32>,
      %swap3A_91 = vector.shape_cast %swap3A_90 : vector<16xf32> to vector<16xf32>
      %swap3A_92 = vector.shape_cast %broadcast_in_dim3A_0 : vector<16xf32> to vector<16xf32>
      tpu.vector_store %arg12[%swap3A_89], %swap3A_92 {strides = array<i32>} : memref<640xf32, #tpu.memory_space<vmem>>, vector<16xf32>,
    }
    %scan3A_11 = arith.constant 40 : i32
    %broadcast_in_dim3A_12 = arith.constant 1.000000e+00 : f32
    %broadcast_in_dim3A_13 = vector.broadcast %broadcast_in_dim3A_12 : f32 to vector<16xf32>
    %swap3A = arith.constant 0 : index
    %swap3A_14 = tpu.vector_load %arg13[%swap3A] {strides = array<i32>} : memref<80xf32, #tpu.memory_space<vmem>>, vector<16xf32>,
    %swap3A_15 = vector.shape_cast %swap3A_14 : vector<16xf32> to vector<16xf32>
    %swap3A_16 = vector.shape_cast %broadcast_in_dim3A_13 : vector<16xf32> to vector<16xf32>
    tpu.vector_store %arg13[%swap3A], %swap3A_16 {strides = array<i32>} : memref<80xf32, #tpu.memory_space<vmem>>, vector<16xf32>,
    %swap3A_17 = arith.constant 16 : index
    %swap3A_18 = tpu.vector_load %arg13[%swap3A_17] {strides = array<i32>} : memref<80xf32, #tpu.memory_space<vmem>>, vector<16xf32>,
    %swap3A_19 = vector.shape_cast %swap3A_18 : vector<16xf32> to vector<16xf32>
    %swap3A_20 = vector.shape_cast %broadcast_in_dim3A_13 : vector<16xf32> to vector<16xf32>
    tpu.vector_store %arg13[%swap3A_17], %swap3A_20 {strides = array<i32>} : memref<80xf32, #tpu.memory_space<vmem>>, vector<16xf32>,
    %swap3A_21 = arith.constant 32 : index
    %swap3A_22 = tpu.vector_load %arg13[%swap3A_21] {strides = array<i32>} : memref<80xf32, #tpu.memory_space<vmem>>, vector<16xf32>,
    %swap3A_23 = vector.shape_cast %swap3A_22 : vector<16xf32> to vector<16xf32>
    %swap3A_24 = vector.shape_cast %broadcast_in_dim3A_13 : vector<16xf32> to vector<16xf32>
    tpu.vector_store %arg13[%swap3A_21], %swap3A_24 {strides = array<i32>} : memref<80xf32, #tpu.memory_space<vmem>>, vector<16xf32>,
    %swap3A_25 = arith.constant 48 : index
    %swap3A_26 = tpu.vector_load %arg13[%swap3A_25] {strides = array<i32>} : memref<80xf32, #tpu.memory_space<vmem>>, vector<16xf32>,
    %swap3A_27 = vector.shape_cast %swap3A_26 : vector<16xf32> to vector<16xf32>
    %swap3A_28 = vector.shape_cast %broadcast_in_dim3A_13 : vector<16xf32> to vector<16xf32>
    tpu.vector_store %arg13[%swap3A_25], %swap3A_28 {strides = array<i32>} : memref<80xf32, #tpu.memory_space<vmem>>, vector<16xf32>,
    %swap3A_29 = arith.constant 64 : index
    %swap3A_30 = tpu.vector_load %arg13[%swap3A_29] {strides = array<i32>} : memref<80xf32, #tpu.memory_space<vmem>>, vector<16xf32>,
    %swap3A_31 = vector.shape_cast %swap3A_30 : vector<16xf32> to vector<16xf32>
    %swap3A_32 = vector.shape_cast %broadcast_in_dim3A_13 : vector<16xf32> to vector<16xf32>
    tpu.vector_store %arg13[%swap3A_29], %swap3A_32 {strides = array<i32>} : memref<80xf32, #tpu.memory_space<vmem>>, vector<16xf32>,
    %mul3A = arith.constant 640 : i32
    %mul3A_33 = arith.muli %arg1, %mul3A : i32
    %add3A = arith.constant 0 : i32
    %add3A_34 = arith.addi %mul3A_33, %add3A : i32
    "tpu.region"() ({
      %run_scoped3A = tpu.sem_alloc : memref<!tpu.dma_semaphore, #tpu.memory_space<semaphore_mem>>
      %dma_start3A = arith.constant 0 : i32
      %dma_start3A_86 = tpu.memref_slice %arg14[%add3A_34, %dma_start3A] : memref<10240x64xf32, #tpu.memory_space<vmem_shared>> -> memref<128x64xf32, #tpu.memory_space<vmem_shared>>
      %dma_start3A_87 = arith.constant 0 : i32
      %dma_start3A_88 = tpu.memref_slice %arg14[%add3A_34, %dma_start3A_87] : memref<10240x64xf32, #tpu.memory_space<vmem_shared>> -> memref<128x64xf32, #tpu.memory_space<vmem_shared>>
      tpu.enqueue_dma source(%arg11 : memref<128x64xf32, #tpu.memory_space<vmem>>) target(%dma_start3A_88 : memref<128x64xf32, #tpu.memory_space<vmem_shared>>) target_semaphore(%run_scoped3A : memref<!tpu.dma_semaphore, #tpu.memory_space<semaphore_mem>>)
      %dma_wait3A = arith.constant 0 : i32
      %dma_wait3A_89 = tpu.memref_slice %arg14[%add3A_34, %dma_wait3A] : memref<10240x64xf32, #tpu.memory_space<vmem_shared>> -> memref<128x64xf32, #tpu.memory_space<vmem_shared>>
      %dma_wait3A_90 = arith.constant 0 : i32
      %dma_wait3A_91 = tpu.memref_slice %arg14[%add3A_34, %dma_wait3A_90] : memref<10240x64xf32, #tpu.memory_space<vmem_shared>> -> memref<128x64xf32, #tpu.memory_space<vmem_shared>>
      tpu.wait_dma2 semaphore(%run_scoped3A : memref<!tpu.dma_semaphore, #tpu.memory_space<semaphore_mem>>) src(%arg11 : memref<128x64xf32, #tpu.memory_space<vmem>>) dst(%dma_wait3A_91 : memref<128x64xf32, #tpu.memory_space<vmem_shared>>)
      tpu.yield
    }) : () -> ()
    %mul3A_35 = arith.constant 640 : i32
    %mul3A_36 = arith.muli %arg1, %mul3A_35 : i32
    %add3A_37 = arith.constant 128 : i32
    %add3A_38 = arith.addi %mul3A_36, %add3A_37 : i32
    "tpu.region"() ({
      %run_scoped3A = tpu.sem_alloc : memref<!tpu.dma_semaphore, #tpu.memory_space<semaphore_mem>>
      %dma_start3A = arith.constant 0 : i32
      %dma_start3A_86 = tpu.memref_slice %arg14[%add3A_38, %dma_start3A] : memref<10240x64xf32, #tpu.memory_space<vmem_shared>> -> memref<128x64xf32, #tpu.memory_space<vmem_shared>>
      %dma_start3A_87 = arith.constant 0 : i32
      %dma_start3A_88 = tpu.memref_slice %arg14[%add3A_38, %dma_start3A_87] : memref<10240x64xf32, #tpu.memory_space<vmem_shared>> -> memref<128x64xf32, #tpu.memory_space<vmem_shared>>
      tpu.enqueue_dma source(%arg11 : memref<128x64xf32, #tpu.memory_space<vmem>>) target(%dma_start3A_88 : memref<128x64xf32, #tpu.memory_space<vmem_shared>>) target_semaphore(%run_scoped3A : memref<!tpu.dma_semaphore, #tpu.memory_space<semaphore_mem>>)
      %dma_wait3A = arith.constant 0 : i32
      %dma_wait3A_89 = tpu.memref_slice %arg14[%add3A_38, %dma_wait3A] : memref<10240x64xf32, #tpu.memory_space<vmem_shared>> -> memref<128x64xf32, #tpu.memory_space<vmem_shared>>
      %dma_wait3A_90 = arith.constant 0 : i32
      %dma_wait3A_91 = tpu.memref_slice %arg14[%add3A_38, %dma_wait3A_90] : memref<10240x64xf32, #tpu.memory_space<vmem_shared>> -> memref<128x64xf32, #tpu.memory_space<vmem_shared>>
      tpu.wait_dma2 semaphore(%run_scoped3A : memref<!tpu.dma_semaphore, #tpu.memory_space<semaphore_mem>>) src(%arg11 : memref<128x64xf32, #tpu.memory_space<vmem>>) dst(%dma_wait3A_91 : memref<128x64xf32, #tpu.memory_space<vmem_shared>>)
      tpu.yield
    }) : () -> ()
    %mul3A_39 = arith.constant 640 : i32
    %mul3A_40 = arith.muli %arg1, %mul3A_39 : i32
    %add3A_41 = arith.constant 256 : i32
    %add3A_42 = arith.addi %mul3A_40, %add3A_41 : i32
    "tpu.region"() ({
      %run_scoped3A = tpu.sem_alloc : memref<!tpu.dma_semaphore, #tpu.memory_space<semaphore_mem>>
      %dma_start3A = arith.constant 0 : i32
      %dma_start3A_86 = tpu.memref_slice %arg14[%add3A_42, %dma_start3A] : memref<10240x64xf32, #tpu.memory_space<vmem_shared>> -> memref<128x64xf32, #tpu.memory_space<vmem_shared>>
      %dma_start3A_87 = arith.constant 0 : i32
      %dma_start3A_88 = tpu.memref_slice %arg14[%add3A_42, %dma_start3A_87] : memref<10240x64xf32, #tpu.memory_space<vmem_shared>> -> memref<128x64xf32, #tpu.memory_space<vmem_shared>>
      tpu.enqueue_dma source(%arg11 : memref<128x64xf32, #tpu.memory_space<vmem>>) target(%dma_start3A_88 : memref<128x64xf32, #tpu.memory_space<vmem_shared>>) target_semaphore(%run_scoped3A : memref<!tpu.dma_semaphore, #tpu.memory_space<semaphore_mem>>)
      %dma_wait3A = arith.constant 0 : i32
      %dma_wait3A_89 = tpu.memref_slice %arg14[%add3A_42, %dma_wait3A] : memref<10240x64xf32, #tpu.memory_space<vmem_shared>> -> memref<128x64xf32, #tpu.memory_space<vmem_shared>>
      %dma_wait3A_90 = arith.constant 0 : i32
      %dma_wait3A_91 = tpu.memref_slice %arg14[%add3A_42, %dma_wait3A_90] : memref<10240x64xf32, #tpu.memory_space<vmem_shared>> -> memref<128x64xf32, #tpu.memory_space<vmem_shared>>
      tpu.wait_dma2 semaphore(%run_scoped3A : memref<!tpu.dma_semaphore, #tpu.memory_space<semaphore_mem>>) src(%arg11 : memref<128x64xf32, #tpu.memory_space<vmem>>) dst(%dma_wait3A_91 : memref<128x64xf32, #tpu.memory_space<vmem_shared>>)
      tpu.yield
    }) : () -> ()
    %mul3A_43 = arith.constant 640 : i32
    %mul3A_44 = arith.muli %arg1, %mul3A_43 : i32
    %add3A_45 = arith.constant 384 : i32
    %add3A_46 = arith.addi %mul3A_44, %add3A_45 : i32
    "tpu.region"() ({
      %run_scoped3A = tpu.sem_alloc : memref<!tpu.dma_semaphore, #tpu.memory_space<semaphore_mem>>
      %dma_start3A = arith.constant 0 : i32
      %dma_start3A_86 = tpu.memref_slice %arg14[%add3A_46, %dma_start3A] : memref<10240x64xf32, #tpu.memory_space<vmem_shared>> -> memref<128x64xf32, #tpu.memory_space<vmem_shared>>
      %dma_start3A_87 = arith.constant 0 : i32
      %dma_start3A_88 = tpu.memref_slice %arg14[%add3A_46, %dma_start3A_87] : memref<10240x64xf32, #tpu.memory_space<vmem_shared>> -> memref<128x64xf32, #tpu.memory_space<vmem_shared>>
      tpu.enqueue_dma source(%arg11 : memref<128x64xf32, #tpu.memory_space<vmem>>) target(%dma_start3A_88 : memref<128x64xf32, #tpu.memory_space<vmem_shared>>) target_semaphore(%run_scoped3A : memref<!tpu.dma_semaphore, #tpu.memory_space<semaphore_mem>>)
      %dma_wait3A = arith.constant 0 : i32
      %dma_wait3A_89 = tpu.memref_slice %arg14[%add3A_46, %dma_wait3A] : memref<10240x64xf32, #tpu.memory_space<vmem_shared>> -> memref<128x64xf32, #tpu.memory_space<vmem_shared>>
      %dma_wait3A_90 = arith.constant 0 : i32
      %dma_wait3A_91 = tpu.memref_slice %arg14[%add3A_46, %dma_wait3A_90] : memref<10240x64xf32, #tpu.memory_space<vmem_shared>> -> memref<128x64xf32, #tpu.memory_space<vmem_shared>>
      tpu.wait_dma2 semaphore(%run_scoped3A : memref<!tpu.dma_semaphore, #tpu.memory_space<semaphore_mem>>) src(%arg11 : memref<128x64xf32, #tpu.memory_space<vmem>>) dst(%dma_wait3A_91 : memref<128x64xf32, #tpu.memory_space<vmem_shared>>)
      tpu.yield
    }) : () -> ()
    %mul3A_47 = arith.constant 640 : i32
    %mul3A_48 = arith.muli %arg1, %mul3A_47 : i32
    %add3A_49 = arith.constant 512 : i32
    %add3A_50 = arith.addi %mul3A_48, %add3A_49 : i32
    "tpu.region"() ({
      %run_scoped3A = tpu.sem_alloc : memref<!tpu.dma_semaphore, #tpu.memory_space<semaphore_mem>>
      %dma_start3A = arith.constant 0 : i32
      %dma_start3A_86 = tpu.memref_slice %arg14[%add3A_50, %dma_start3A] : memref<10240x64xf32, #tpu.memory_space<vmem_shared>> -> memref<128x64xf32, #tpu.memory_space<vmem_shared>>
      %dma_start3A_87 = arith.constant 0 : i32
      %dma_start3A_88 = tpu.memref_slice %arg14[%add3A_50, %dma_start3A_87] : memref<10240x64xf32, #tpu.memory_space<vmem_shared>> -> memref<128x64xf32, #tpu.memory_space<vmem_shared>>
      tpu.enqueue_dma source(%arg11 : memref<128x64xf32, #tpu.memory_space<vmem>>) target(%dma_start3A_88 : memref<128x64xf32, #tpu.memory_space<vmem_shared>>) target_semaphore(%run_scoped3A : memref<!tpu.dma_semaphore, #tpu.memory_space<semaphore_mem>>)
      %dma_wait3A = arith.constant 0 : i32
      %dma_wait3A_89 = tpu.memref_slice %arg14[%add3A_50, %dma_wait3A] : memref<10240x64xf32, #tpu.memory_space<vmem_shared>> -> memref<128x64xf32, #tpu.memory_space<vmem_shared>>
      %dma_wait3A_90 = arith.constant 0 : i32
      %dma_wait3A_91 = tpu.memref_slice %arg14[%add3A_50, %dma_wait3A_90] : memref<10240x64xf32, #tpu.memory_space<vmem_shared>> -> memref<128x64xf32, #tpu.memory_space<vmem_shared>>
      tpu.wait_dma2 semaphore(%run_scoped3A : memref<!tpu.dma_semaphore, #tpu.memory_space<semaphore_mem>>) src(%arg11 : memref<128x64xf32, #tpu.memory_space<vmem>>) dst(%dma_wait3A_91 : memref<128x64xf32, #tpu.memory_space<vmem_shared>>)
      tpu.yield
    }) : () -> ()
    %mul3A_51 = arith.constant 640 : i32
    %mul3A_52 = arith.muli %arg1, %mul3A_51 : i32
    "tpu.region"() ({
      %run_scoped3A = tpu.sem_alloc : memref<!tpu.dma_semaphore, #tpu.memory_space<semaphore_mem>>
      %dma_start3A = tpu.memref_slice %arg15[%mul3A_52] : memref<10240xf32, #tpu.memory_space<vmem_shared>> -> memref<640xf32, #tpu.memory_space<vmem_shared>>
      %dma_start3A_86 = tpu.memref_slice %arg15[%mul3A_52] : memref<10240xf32, #tpu.memory_space<vmem_shared>> -> memref<640xf32, #tpu.memory_space<vmem_shared>>
      tpu.enqueue_dma source(%arg12 : memref<640xf32, #tpu.memory_space<vmem>>) target(%dma_start3A_86 : memref<640xf32, #tpu.memory_space<vmem_shared>>) target_semaphore(%run_scoped3A : memref<!tpu.dma_semaphore, #tpu.memory_space<semaphore_mem>>)
      %dma_wait3A = tpu.memref_slice %arg15[%mul3A_52] : memref<10240xf32, #tpu.memory_space<vmem_shared>> -> memref<640xf32, #tpu.memory_space<vmem_shared>>
      %dma_wait3A_87 = tpu.memref_slice %arg15[%mul3A_52] : memref<10240xf32, #tpu.memory_space<vmem_shared>> -> memref<640xf32, #tpu.memory_space<vmem_shared>>
      tpu.wait_dma2 semaphore(%run_scoped3A : memref<!tpu.dma_semaphore, #tpu.memory_space<semaphore_mem>>) src(%arg12 : memref<640xf32, #tpu.memory_space<vmem>>) dst(%dma_wait3A_87 : memref<640xf32, #tpu.memory_space<vmem_shared>>)
      tpu.yield
    }) : () -> ()
    %barrier3A = arith.constant 0 : index
    tpu.barrier barrier_id(%barrier3A)
    "tpu.region"() ({
      %run_scoped3A = tpu.sem_alloc : memref<!tpu.dma_semaphore, #tpu.memory_space<semaphore_mem>>
      %dma_start3A = arith.constant 0 : i32
      %dma_start3A_86 = arith.constant 0 : i32
      %dma_start3A_87 = tpu.memref_slice %arg4[%arg1, %dma_start3A, %dma_start3A_86] : memref<16x250x80xi32, #tpu.memory_space<hbm>> -> memref<1x250x80xi32, #tpu.memory_space<hbm>>
      %dma_start3A_88 = tpu.memref_squeeze %dma_start3A_87 : memref<1x250x80xi32, #tpu.memory_space<hbm>> -> memref<250x80xi32, #tpu.memory_space<hbm>>
      %dma_start3A_89 = arith.constant 0 : i32
      %dma_start3A_90 = arith.constant 0 : i32
      %dma_start3A_91 = tpu.memref_slice %arg4[%arg1, %dma_start3A_89, %dma_start3A_90] : memref<16x250x80xi32, #tpu.memory_space<hbm>> -> memref<1x250x80xi32, #tpu.memory_space<hbm>>
      %dma_start3A_92 = tpu.memref_squeeze %dma_start3A_91 : memref<1x250x80xi32, #tpu.memory_space<hbm>> -> memref<250x80xi32, #tpu.memory_space<hbm>>
      tpu.enqueue_dma source(%dma_start3A_92 : memref<250x80xi32, #tpu.memory_space<hbm>>) target(%arg8 : memref<250x80xi32, #tpu.memory_space<vmem>>) target_semaphore(%run_scoped3A : memref<!tpu.dma_semaphore, #tpu.memory_space<semaphore_mem>>)
      %dma_wait3A = arith.constant 0 : i32
      %dma_wait3A_93 = arith.constant 0 : i32
      %dma_wait3A_94 = tpu.memref_slice %arg4[%arg1, %dma_wait3A, %dma_wait3A_93] : memref<16x250x80xi32, #tpu.memory_space<hbm>> -> memref<1x250x80xi32, #tpu.memory_space<hbm>>
      %dma_wait3A_95 = tpu.memref_squeeze %dma_wait3A_94 : memref<1x250x80xi32, #tpu.memory_space<hbm>> -> memref<250x80xi32, #tpu.memory_space<hbm>>
      %dma_wait3A_96 = arith.constant 0 : i32
      %dma_wait3A_97 = arith.constant 0 : i32
      %dma_wait3A_98 = tpu.memref_slice %arg4[%arg1, %dma_wait3A_96, %dma_wait3A_97] : memref<16x250x80xi32, #tpu.memory_space<hbm>> -> memref<1x250x80xi32, #tpu.memory_space<hbm>>
      %dma_wait3A_99 = tpu.memref_squeeze %dma_wait3A_98 : memref<1x250x80xi32, #tpu.memory_space<hbm>> -> memref<250x80xi32, #tpu.memory_space<hbm>>
      tpu.wait_dma2 semaphore(%run_scoped3A : memref<!tpu.dma_semaphore, #tpu.memory_space<semaphore_mem>>) src(%dma_wait3A_99 : memref<250x80xi32, #tpu.memory_space<hbm>>) dst(%arg8 : memref<250x80xi32, #tpu.memory_space<vmem>>)
      tpu.yield
    }) : () -> ()
    "tpu.region"() ({
      %run_scoped3A = tpu.sem_alloc : memref<!tpu.dma_semaphore, #tpu.memory_space<semaphore_mem>>
      %dma_start3A = arith.constant 0 : i32
      %dma_start3A_86 = arith.constant 0 : i32
      %dma_start3A_87 = tpu.memref_slice %arg5[%arg1, %dma_start3A, %dma_start3A_86] : memref<16x250x80xi32, #tpu.memory_space<hbm>> -> memref<1x250x80xi32, #tpu.memory_space<hbm>>
      %dma_start3A_88 = tpu.memref_squeeze %dma_start3A_87 : memref<1x250x80xi32, #tpu.memory_space<hbm>> -> memref<250x80xi32, #tpu.memory_space<hbm>>
      %dma_start3A_89 = arith.constant 0 : i32
      %dma_start3A_90 = arith.constant 0 : i32
      %dma_start3A_91 = tpu.memref_slice %arg5[%arg1, %dma_start3A_89, %dma_start3A_90] : memref<16x250x80xi32, #tpu.memory_space<hbm>> -> memref<1x250x80xi32, #tpu.memory_space<hbm>>
      %dma_start3A_92 = tpu.memref_squeeze %dma_start3A_91 : memref<1x250x80xi32, #tpu.memory_space<hbm>> -> memref<250x80xi32, #tpu.memory_space<hbm>>
      tpu.enqueue_dma source(%dma_start3A_92 : memref<250x80xi32, #tpu.memory_space<hbm>>) target(%arg9 : memref<250x80xi32, #tpu.memory_space<vmem>>) target_semaphore(%run_scoped3A : memref<!tpu.dma_semaphore, #tpu.memory_space<semaphore_mem>>)
      %dma_wait3A = arith.constant 0 : i32
      %dma_wait3A_93 = arith.constant 0 : i32
      %dma_wait3A_94 = tpu.memref_slice %arg5[%arg1, %dma_wait3A, %dma_wait3A_93] : memref<16x250x80xi32, #tpu.memory_space<hbm>> -> memref<1x250x80xi32, #tpu.memory_space<hbm>>
      %dma_wait3A_95 = tpu.memref_squeeze %dma_wait3A_94 : memref<1x250x80xi32, #tpu.memory_space<hbm>> -> memref<250x80xi32, #tpu.memory_space<hbm>>
      %dma_wait3A_96 = arith.constant 0 : i32
      %dma_wait3A_97 = arith.constant 0 : i32
      %dma_wait3A_98 = tpu.memref_slice %arg5[%arg1, %dma_wait3A_96, %dma_wait3A_97] : memref<16x250x80xi32, #tpu.memory_space<hbm>> -> memref<1x250x80xi32, #tpu.memory_space<hbm>>
      %dma_wait3A_99 = tpu.memref_squeeze %dma_wait3A_98 : memref<1x250x80xi32, #tpu.memory_space<hbm>> -> memref<250x80xi32, #tpu.memory_space<hbm>>
      tpu.wait_dma2 semaphore(%run_scoped3A : memref<!tpu.dma_semaphore, #tpu.memory_space<semaphore_mem>>) src(%dma_wait3A_99 : memref<250x80xi32, #tpu.memory_space<hbm>>) dst(%arg9 : memref<250x80xi32, #tpu.memory_space<vmem>>)
      tpu.yield
    }) : () -> ()
    %eq3A = arith.constant 0 : i32
    %eq3A_53 = arith.cmpi eq, %arg0, %eq3A : i32
    %convert_element_type3A = arith.extui %eq3A_53 : i1 to i32
    %cond3A = arith.constant 0 : i32
    %cond3A_54 = arith.cmpi ne, %convert_element_type3A, %cond3A : i32
    scf.if %cond3A_54 {
      %scan3A_86 = arith.constant 0 : i32
      %scan3A_87 = arith.constant 0 : i32
      %scan3A_88 = arith.constant 250 : i32
      %scan3A_89 = arith.addi %scan3A_87, %scan3A_88 : i32
      %scan3A_90 = arith.constant 1 : i32
      scf.for %scan3A_98 = %scan3A_87 to %scan3A_89 step %scan3A_90  : i32 {
        %dma_start3A = arith.constant 0 : i32
        %dma_start3A_99 = tpu.memref_slice %arg8[%scan3A_98, %dma_start3A] : memref<250x80xi32, #tpu.memory_space<vmem>> -> memref<1x80xi32, #tpu.memory_space<vmem>>
        %dma_start3A_100 = tpu.memref_squeeze %dma_start3A_99 : memref<1x80xi32, #tpu.memory_space<vmem>> -> memref<80xi32, #tpu.memory_space<vmem>>
        %dma_start3A_101 = arith.constant 0 : i32
        %dma_start3A_102 = arith.constant 0 : i32
        %dma_start3A_103 = tpu.memref_slice %arg2[%dma_start3A_101, %dma_start3A_102] : memref<10000x64xf32, #tpu.memory_space<hbm>> -> memref<10000x64xf32, #tpu.memory_space<hbm>>
        tpu.enqueue_indirect_dma source(%dma_start3A_103 : memref<10000x64xf32, #tpu.memory_space<hbm>>) target(%arg10 : memref<80x64xf32, #tpu.memory_space<vmem>>) offsets(%dma_start3A_100 : memref<80xi32, #tpu.memory_space<vmem>>) semaphore(%arg16 : memref<!tpu.dma_semaphore, #tpu.memory_space<semaphore_mem>>)
        %dma_wait3A = arith.constant 0 : i32
        %dma_wait3A_104 = tpu.memref_slice %arg8[%scan3A_98, %dma_wait3A] : memref<250x80xi32, #tpu.memory_space<vmem>> -> memref<1x80xi32, #tpu.memory_space<vmem>>
        %dma_wait3A_105 = tpu.memref_squeeze %dma_wait3A_104 : memref<1x80xi32, #tpu.memory_space<vmem>> -> memref<80xi32, #tpu.memory_space<vmem>>
        %dma_wait3A_106 = arith.constant 0 : i32
        %dma_wait3A_107 = arith.constant 0 : i32
        %dma_wait3A_108 = tpu.memref_slice %arg2[%dma_wait3A_106, %dma_wait3A_107] : memref<10000x64xf32, #tpu.memory_space<hbm>> -> memref<10000x64xf32, #tpu.memory_space<hbm>>
        tpu.wait_indirect_dma semaphore(%arg16 : memref<!tpu.dma_semaphore, #tpu.memory_space<semaphore_mem>>) src(%dma_wait3A_108 : memref<10000x64xf32, #tpu.memory_space<hbm>>) dst(%arg10 : memref<80x64xf32, #tpu.memory_space<vmem>>)
        "tpu.region"() ({
          %run_scoped3A = tpu.sem_alloc : memref<!tpu.dma_semaphore, #tpu.memory_space<semaphore_mem>>
          %dma_start3A_109 = arith.constant 0 : i32
          %dma_start3A_110 = tpu.memref_slice %arg9[%scan3A_98, %dma_start3A_109] : memref<250x80xi32, #tpu.memory_space<vmem>> -> memref<1x80xi32, #tpu.memory_space<vmem>>
          %dma_start3A_111 = tpu.memref_squeeze %dma_start3A_110 : memref<1x80xi32, #tpu.memory_space<vmem>> -> memref<80xi32, #tpu.memory_space<vmem>>
          %dma_start3A_112 = arith.constant 0 : i32
          %dma_start3A_113 = arith.constant 0 : i32
          %dma_start3A_114 = tpu.memref_slice %arg14[%dma_start3A_112, %dma_start3A_113] : memref<10240x64xf32, #tpu.memory_space<vmem_shared>> -> memref<10240x64xf32, #tpu.memory_space<vmem_shared>>
          tpu.enqueue_indirect_dma source(%arg10 : memref<80x64xf32, #tpu.memory_space<vmem>>) target(%dma_start3A_114 : memref<10240x64xf32, #tpu.memory_space<vmem_shared>>) offsets(%dma_start3A_111 : memref<80xi32, #tpu.memory_space<vmem>>) semaphore(%run_scoped3A : memref<!tpu.dma_semaphore, #tpu.memory_space<semaphore_mem>>) {add = true}
          %dma_wait3A_115 = arith.constant 0 : i32
          %dma_wait3A_116 = tpu.memref_slice %arg9[%scan3A_98, %dma_wait3A_115] : memref<250x80xi32, #tpu.memory_space<vmem>> -> memref<1x80xi32, #tpu.memory_space<vmem>>
          %dma_wait3A_117 = tpu.memref_squeeze %dma_wait3A_116 : memref<1x80xi32, #tpu.memory_space<vmem>> -> memref<80xi32, #tpu.memory_space<vmem>>
          %dma_wait3A_118 = arith.constant 0 : i32
          %dma_wait3A_119 = arith.constant 0 : i32
          %dma_wait3A_120 = tpu.memref_slice %arg14[%dma_wait3A_118, %dma_wait3A_119] : memref<10240x64xf32, #tpu.memory_space<vmem_shared>> -> memref<10240x64xf32, #tpu.memory_space<vmem_shared>>
          tpu.wait_indirect_dma semaphore(%run_scoped3A : memref<!tpu.dma_semaphore, #tpu.memory_space<semaphore_mem>>) src(%arg10 : memref<80x64xf32, #tpu.memory_space<vmem>>) dst(%dma_wait3A_120 : memref<10240x64xf32, #tpu.memory_space<vmem_shared>>)
          tpu.yield
        }) : () -> ()
      }
      %scan3A_91 = arith.constant 250 : i32
      %scan3A_92 = arith.constant 0 : i32
      %scan3A_93 = arith.constant 0 : i32
      %scan3A_94 = arith.constant 250 : i32
      %scan3A_95 = arith.addi %scan3A_93, %scan3A_94 : i32
      %scan3A_96 = arith.constant 1 : i32
      scf.for %scan3A_98 = %scan3A_93 to %scan3A_95 step %scan3A_96  : i32 {
        "tpu.region"() ({
          %run_scoped3A = tpu.sem_alloc : memref<!tpu.dma_semaphore, #tpu.memory_space<semaphore_mem>>
          %dma_start3A = arith.constant 0 : i32
          %dma_start3A_99 = tpu.memref_slice %arg9[%scan3A_98, %dma_start3A] : memref<250x80xi32, #tpu.memory_space<vmem>> -> memref<1x80xi32, #tpu.memory_space<vmem>>
          %dma_start3A_100 = tpu.memref_squeeze %dma_start3A_99 : memref<1x80xi32, #tpu.memory_space<vmem>> -> memref<80xi32, #tpu.memory_space<vmem>>
          %dma_start3A_101 = arith.constant 0 : i32
          %dma_start3A_102 = tpu.memref_slice %arg15[%dma_start3A_101] : memref<10240xf32, #tpu.memory_space<vmem_shared>> -> memref<10240xf32, #tpu.memory_space<vmem_shared>>
          tpu.enqueue_indirect_dma source(%arg13 : memref<80xf32, #tpu.memory_space<vmem>>) target(%dma_start3A_102 : memref<10240xf32, #tpu.memory_space<vmem_shared>>) offsets(%dma_start3A_100 : memref<80xi32, #tpu.memory_space<vmem>>) semaphore(%run_scoped3A : memref<!tpu.dma_semaphore, #tpu.memory_space<semaphore_mem>>) {add = true}
          %dma_wait3A = arith.constant 0 : i32
          %dma_wait3A_103 = tpu.memref_slice %arg9[%scan3A_98, %dma_wait3A] : memref<250x80xi32, #tpu.memory_space<vmem>> -> memref<1x80xi32, #tpu.memory_space<vmem>>
          %dma_wait3A_104 = tpu.memref_squeeze %dma_wait3A_103 : memref<1x80xi32, #tpu.memory_space<vmem>> -> memref<80xi32, #tpu.memory_space<vmem>>
          %dma_wait3A_105 = arith.constant 0 : i32
          %dma_wait3A_106 = tpu.memref_slice %arg15[%dma_wait3A_105] : memref<10240xf32, #tpu.memory_space<vmem_shared>> -> memref<10240xf32, #tpu.memory_space<vmem_shared>>
          tpu.wait_indirect_dma semaphore(%run_scoped3A : memref<!tpu.dma_semaphore, #tpu.memory_space<semaphore_mem>>) src(%arg13 : memref<80xf32, #tpu.memory_space<vmem>>) dst(%dma_wait3A_106 : memref<10240xf32, #tpu.memory_space<vmem_shared>>)
          tpu.yield
        }) : () -> ()
      }
      %scan3A_97 = arith.constant 250 : i32
    } else {
    }
    %eq3A_55 = arith.constant 1 : i32
    %eq3A_56 = arith.cmpi eq, %arg0, %eq3A_55 : i32
    %convert_element_type3A_57 = arith.extui %eq3A_56 : i1 to i32
    %cond3A_58 = arith.constant 0 : i32
    %cond3A_59 = arith.cmpi ne, %convert_element_type3A_57, %cond3A_58 : i32
    scf.if %cond3A_59 {
      %scan3A_86 = arith.constant 0 : i32
      %scan3A_87 = arith.constant 0 : i32
      %scan3A_88 = arith.constant 250 : i32
      %scan3A_89 = arith.addi %scan3A_87, %scan3A_88 : i32
      %scan3A_90 = arith.constant 1 : i32
      scf.for %scan3A_92 = %scan3A_87 to %scan3A_89 step %scan3A_90  : i32 {
        %dma_start3A = arith.constant 0 : i32
        %dma_start3A_93 = tpu.memref_slice %arg8[%scan3A_92, %dma_start3A] : memref<250x80xi32, #tpu.memory_space<vmem>> -> memref<1x80xi32, #tpu.memory_space<vmem>>
        %dma_start3A_94 = tpu.memref_squeeze %dma_start3A_93 : memref<1x80xi32, #tpu.memory_space<vmem>> -> memref<80xi32, #tpu.memory_space<vmem>>
        %dma_start3A_95 = arith.constant 0 : i32
        %dma_start3A_96 = arith.constant 0 : i32
        %dma_start3A_97 = tpu.memref_slice %arg3[%dma_start3A_95, %dma_start3A_96] : memref<10000x64xf32, #tpu.memory_space<hbm>> -> memref<10000x64xf32, #tpu.memory_space<hbm>>
        tpu.enqueue_indirect_dma source(%dma_start3A_97 : memref<10000x64xf32, #tpu.memory_space<hbm>>) target(%arg10 : memref<80x64xf32, #tpu.memory_space<vmem>>) offsets(%dma_start3A_94 : memref<80xi32, #tpu.memory_space<vmem>>) semaphore(%arg16 : memref<!tpu.dma_semaphore, #tpu.memory_space<semaphore_mem>>)
        %dma_wait3A = arith.constant 0 : i32
        %dma_wait3A_98 = tpu.memref_slice %arg8[%scan3A_92, %dma_wait3A] : memref<250x80xi32, #tpu.memory_space<vmem>> -> memref<1x80xi32, #tpu.memory_space<vmem>>
        %dma_wait3A_99 = tpu.memref_squeeze %dma_wait3A_98 : memref<1x80xi32, #tpu.memory_space<vmem>> -> memref<80xi32, #tpu.memory_space<vmem>>
        %dma_wait3A_100 = arith.constant 0 : i32
        %dma_wait3A_101 = arith.constant 0 : i32
        %dma_wait3A_102 = tpu.memref_slice %arg3[%dma_wait3A_100, %dma_wait3A_101] : memref<10000x64xf32, #tpu.memory_space<hbm>> -> memref<10000x64xf32, #tpu.memory_space<hbm>>
        tpu.wait_indirect_dma semaphore(%arg16 : memref<!tpu.dma_semaphore, #tpu.memory_space<semaphore_mem>>) src(%dma_wait3A_102 : memref<10000x64xf32, #tpu.memory_space<hbm>>) dst(%arg10 : memref<80x64xf32, #tpu.memory_space<vmem>>)
        "tpu.region"() ({
          %run_scoped3A = tpu.sem_alloc : memref<!tpu.dma_semaphore, #tpu.memory_space<semaphore_mem>>
          %dma_start3A_103 = arith.constant 0 : i32
          %dma_start3A_104 = tpu.memref_slice %arg9[%scan3A_92, %dma_start3A_103] : memref<250x80xi32, #tpu.memory_space<vmem>> -> memref<1x80xi32, #tpu.memory_space<vmem>>
          %dma_start3A_105 = tpu.memref_squeeze %dma_start3A_104 : memref<1x80xi32, #tpu.memory_space<vmem>> -> memref<80xi32, #tpu.memory_space<vmem>>
          %dma_start3A_106 = arith.constant 0 : i32
          %dma_start3A_107 = arith.constant 0 : i32
          %dma_start3A_108 = tpu.memref_slice %arg14[%dma_start3A_106, %dma_start3A_107] : memref<10240x64xf32, #tpu.memory_space<vmem_shared>> -> memref<10240x64xf32, #tpu.memory_space<vmem_shared>>
          tpu.enqueue_indirect_dma source(%arg10 : memref<80x64xf32, #tpu.memory_space<vmem>>) target(%dma_start3A_108 : memref<10240x64xf32, #tpu.memory_space<vmem_shared>>) offsets(%dma_start3A_105 : memref<80xi32, #tpu.memory_space<vmem>>) semaphore(%run_scoped3A : memref<!tpu.dma_semaphore, #tpu.memory_space<semaphore_mem>>) {add = true}
          %dma_wait3A_109 = arith.constant 0 : i32
          %dma_wait3A_110 = tpu.memref_slice %arg9[%scan3A_92, %dma_wait3A_109] : memref<250x80xi32, #tpu.memory_space<vmem>> -> memref<1x80xi32, #tpu.memory_space<vmem>>
          %dma_wait3A_111 = tpu.memref_squeeze %dma_wait3A_110 : memref<1x80xi32, #tpu.memory_space<vmem>> -> memref<80xi32, #tpu.memory_space<vmem>>
          %dma_wait3A_112 = arith.constant 0 : i32
          %dma_wait3A_113 = arith.constant 0 : i32
          %dma_wait3A_114 = tpu.memref_slice %arg14[%dma_wait3A_112, %dma_wait3A_113] : memref<10240x64xf32, #tpu.memory_space<vmem_shared>> -> memref<10240x64xf32, #tpu.memory_space<vmem_shared>>
          tpu.wait_indirect_dma semaphore(%run_scoped3A : memref<!tpu.dma_semaphore, #tpu.memory_space<semaphore_mem>>) src(%arg10 : memref<80x64xf32, #tpu.memory_space<vmem>>) dst(%dma_wait3A_114 : memref<10240x64xf32, #tpu.memory_space<vmem_shared>>)
          tpu.yield
        }) : () -> ()
      }
      %scan3A_91 = arith.constant 250 : i32
    } else {
    }
    %barrier3A_60 = arith.constant 0 : index
    tpu.barrier barrier_id(%barrier3A_60)
    %mul3A_61 = arith.constant 640 : i32
    %mul3A_62 = arith.muli %arg1, %mul3A_61 : i32
    %add3A_63 = arith.constant 0 : i32
    %add3A_64 = arith.addi %mul3A_62, %add3A_63 : i32
    "tpu.region"() ({
      %run_scoped3A = tpu.sem_alloc : memref<!tpu.dma_semaphore, #tpu.memory_space<semaphore_mem>>
      %dma_start3A = arith.constant 0 : i32
      %dma_start3A_86 = tpu.memref_slice %arg14[%add3A_64, %dma_start3A] : memref<10240x64xf32, #tpu.memory_space<vmem_shared>> -> memref<128x64xf32, #tpu.memory_space<vmem_shared>>
      %dma_start3A_87 = arith.constant 0 : i32
      %dma_start3A_88 = tpu.memref_slice %arg14[%add3A_64, %dma_start3A_87] : memref<10240x64xf32, #tpu.memory_space<vmem_shared>> -> memref<128x64xf32, #tpu.memory_space<vmem_shared>>
      tpu.enqueue_dma source(%dma_start3A_88 : memref<128x64xf32, #tpu.memory_space<vmem_shared>>) target(%arg11 : memref<128x64xf32, #tpu.memory_space<vmem>>) target_semaphore(%run_scoped3A : memref<!tpu.dma_semaphore, #tpu.memory_space<semaphore_mem>>)
      %dma_wait3A = arith.constant 0 : i32
      %dma_wait3A_89 = tpu.memref_slice %arg14[%add3A_64, %dma_wait3A] : memref<10240x64xf32, #tpu.memory_space<vmem_shared>> -> memref<128x64xf32, #tpu.memory_space<vmem_shared>>
      %dma_wait3A_90 = arith.constant 0 : i32
      %dma_wait3A_91 = tpu.memref_slice %arg14[%add3A_64, %dma_wait3A_90] : memref<10240x64xf32, #tpu.memory_space<vmem_shared>> -> memref<128x64xf32, #tpu.memory_space<vmem_shared>>
      tpu.wait_dma2 semaphore(%run_scoped3A : memref<!tpu.dma_semaphore, #tpu.memory_space<semaphore_mem>>) src(%dma_wait3A_91 : memref<128x64xf32, #tpu.memory_space<vmem_shared>>) dst(%arg11 : memref<128x64xf32, #tpu.memory_space<vmem>>)
      tpu.yield
    }) : () -> ()
    "tpu.region"() ({
      %run_scoped3A = tpu.sem_alloc : memref<!tpu.dma_semaphore, #tpu.memory_space<semaphore_mem>>
      %dma_start3A = arith.constant 0 : i32
      %dma_start3A_86 = tpu.memref_slice %arg6[%arg0, %add3A_64, %dma_start3A] : memref<2x10240x64xf32, #tpu.memory_space<hbm>> -> memref<1x128x64xf32, #tpu.memory_space<hbm>>
      %dma_start3A_87 = tpu.memref_squeeze %dma_start3A_86 : memref<1x128x64xf32, #tpu.memory_space<hbm>> -> memref<128x64xf32, #tpu.memory_space<hbm>>
      %dma_start3A_88 = arith.constant 0 : i32
      %dma_start3A_89 = tpu.memref_slice %arg6[%arg0, %add3A_64, %dma_start3A_88] : memref<2x10240x64xf32, #tpu.memory_space<hbm>> -> memref<1x128x64xf32, #tpu.memory_space<hbm>>
      %dma_start3A_90 = tpu.memref_squeeze %dma_start3A_89 : memref<1x128x64xf32, #tpu.memory_space<hbm>> -> memref<128x64xf32, #tpu.memory_space<hbm>>
      tpu.enqueue_dma source(%arg11 : memref<128x64xf32, #tpu.memory_space<vmem>>) target(%dma_start3A_90 : memref<128x64xf32, #tpu.memory_space<hbm>>) target_semaphore(%run_scoped3A : memref<!tpu.dma_semaphore, #tpu.memory_space<semaphore_mem>>)
      %dma_wait3A = arith.constant 0 : i32
      %dma_wait3A_91 = tpu.memref_slice %arg6[%arg0, %add3A_64, %dma_wait3A] : memref<2x10240x64xf32, #tpu.memory_space<hbm>> -> memref<1x128x64xf32, #tpu.memory_space<hbm>>
      %dma_wait3A_92 = tpu.memref_squeeze %dma_wait3A_91 : memref<1x128x64xf32, #tpu.memory_space<hbm>> -> memref<128x64xf32, #tpu.memory_space<hbm>>
      %dma_wait3A_93 = arith.constant 0 : i32
      %dma_wait3A_94 = tpu.memref_slice %arg6[%arg0, %add3A_64, %dma_wait3A_93] : memref<2x10240x64xf32, #tpu.memory_space<hbm>> -> memref<1x128x64xf32, #tpu.memory_space<hbm>>
      %dma_wait3A_95 = tpu.memref_squeeze %dma_wait3A_94 : memref<1x128x64xf32, #tpu.memory_space<hbm>> -> memref<128x64xf32, #tpu.memory_space<hbm>>
      tpu.wait_dma2 semaphore(%run_scoped3A : memref<!tpu.dma_semaphore, #tpu.memory_space<semaphore_mem>>) src(%arg11 : memref<128x64xf32, #tpu.memory_space<vmem>>) dst(%dma_wait3A_95 : memref<128x64xf32, #tpu.memory_space<hbm>>)
      tpu.yield
    }) : () -> ()
    %mul3A_65 = arith.constant 640 : i32
    %mul3A_66 = arith.muli %arg1, %mul3A_65 : i32
    %add3A_67 = arith.constant 128 : i32
    %add3A_68 = arith.addi %mul3A_66, %add3A_67 : i32
    "tpu.region"() ({
      %run_scoped3A = tpu.sem_alloc : memref<!tpu.dma_semaphore, #tpu.memory_space<semaphore_mem>>
      %dma_start3A = arith.constant 0 : i32
      %dma_start3A_86 = tpu.memref_slice %arg14[%add3A_68, %dma_start3A] : memref<10240x64xf32, #tpu.memory_space<vmem_shared>> -> memref<128x64xf32, #tpu.memory_space<vmem_shared>>
      %dma_start3A_87 = arith.constant 0 : i32
      %dma_start3A_88 = tpu.memref_slice %arg14[%add3A_68, %dma_start3A_87] : memref<10240x64xf32, #tpu.memory_space<vmem_shared>> -> memref<128x64xf32, #tpu.memory_space<vmem_shared>>
      tpu.enqueue_dma source(%dma_start3A_88 : memref<128x64xf32, #tpu.memory_space<vmem_shared>>) target(%arg11 : memref<128x64xf32, #tpu.memory_space<vmem>>) target_semaphore(%run_scoped3A : memref<!tpu.dma_semaphore, #tpu.memory_space<semaphore_mem>>)
      %dma_wait3A = arith.constant 0 : i32
      %dma_wait3A_89 = tpu.memref_slice %arg14[%add3A_68, %dma_wait3A] : memref<10240x64xf32, #tpu.memory_space<vmem_shared>> -> memref<128x64xf32, #tpu.memory_space<vmem_shared>>
      %dma_wait3A_90 = arith.constant 0 : i32
      %dma_wait3A_91 = tpu.memref_slice %arg14[%add3A_68, %dma_wait3A_90] : memref<10240x64xf32, #tpu.memory_space<vmem_shared>> -> memref<128x64xf32, #tpu.memory_space<vmem_shared>>
      tpu.wait_dma2 semaphore(%run_scoped3A : memref<!tpu.dma_semaphore, #tpu.memory_space<semaphore_mem>>) src(%dma_wait3A_91 : memref<128x64xf32, #tpu.memory_space<vmem_shared>>) dst(%arg11 : memref<128x64xf32, #tpu.memory_space<vmem>>)
      tpu.yield
    }) : () -> ()
    "tpu.region"() ({
      %run_scoped3A = tpu.sem_alloc : memref<!tpu.dma_semaphore, #tpu.memory_space<semaphore_mem>>
      %dma_start3A = arith.constant 0 : i32
      %dma_start3A_86 = tpu.memref_slice %arg6[%arg0, %add3A_68, %dma_start3A] : memref<2x10240x64xf32, #tpu.memory_space<hbm>> -> memref<1x128x64xf32, #tpu.memory_space<hbm>>
      %dma_start3A_87 = tpu.memref_squeeze %dma_start3A_86 : memref<1x128x64xf32, #tpu.memory_space<hbm>> -> memref<128x64xf32, #tpu.memory_space<hbm>>
      %dma_start3A_88 = arith.constant 0 : i32
      %dma_start3A_89 = tpu.memref_slice %arg6[%arg0, %add3A_68, %dma_start3A_88] : memref<2x10240x64xf32, #tpu.memory_space<hbm>> -> memref<1x128x64xf32, #tpu.memory_space<hbm>>
      %dma_start3A_90 = tpu.memref_squeeze %dma_start3A_89 : memref<1x128x64xf32, #tpu.memory_space<hbm>> -> memref<128x64xf32, #tpu.memory_space<hbm>>
      tpu.enqueue_dma source(%arg11 : memref<128x64xf32, #tpu.memory_space<vmem>>) target(%dma_start3A_90 : memref<128x64xf32, #tpu.memory_space<hbm>>) target_semaphore(%run_scoped3A : memref<!tpu.dma_semaphore, #tpu.memory_space<semaphore_mem>>)
      %dma_wait3A = arith.constant 0 : i32
      %dma_wait3A_91 = tpu.memref_slice %arg6[%arg0, %add3A_68, %dma_wait3A] : memref<2x10240x64xf32, #tpu.memory_space<hbm>> -> memref<1x128x64xf32, #tpu.memory_space<hbm>>
      %dma_wait3A_92 = tpu.memref_squeeze %dma_wait3A_91 : memref<1x128x64xf32, #tpu.memory_space<hbm>> -> memref<128x64xf32, #tpu.memory_space<hbm>>
      %dma_wait3A_93 = arith.constant 0 : i32
      %dma_wait3A_94 = tpu.memref_slice %arg6[%arg0, %add3A_68, %dma_wait3A_93] : memref<2x10240x64xf32, #tpu.memory_space<hbm>> -> memref<1x128x64xf32, #tpu.memory_space<hbm>>
      %dma_wait3A_95 = tpu.memref_squeeze %dma_wait3A_94 : memref<1x128x64xf32, #tpu.memory_space<hbm>> -> memref<128x64xf32, #tpu.memory_space<hbm>>
      tpu.wait_dma2 semaphore(%run_scoped3A : memref<!tpu.dma_semaphore, #tpu.memory_space<semaphore_mem>>) src(%arg11 : memref<128x64xf32, #tpu.memory_space<vmem>>) dst(%dma_wait3A_95 : memref<128x64xf32, #tpu.memory_space<hbm>>)
      tpu.yield
    }) : () -> ()
    %mul3A_69 = arith.constant 640 : i32
    %mul3A_70 = arith.muli %arg1, %mul3A_69 : i32
    %add3A_71 = arith.constant 256 : i32
    %add3A_72 = arith.addi %mul3A_70, %add3A_71 : i32
    "tpu.region"() ({
      %run_scoped3A = tpu.sem_alloc : memref<!tpu.dma_semaphore, #tpu.memory_space<semaphore_mem>>
      %dma_start3A = arith.constant 0 : i32
      %dma_start3A_86 = tpu.memref_slice %arg14[%add3A_72, %dma_start3A] : memref<10240x64xf32, #tpu.memory_space<vmem_shared>> -> memref<128x64xf32, #tpu.memory_space<vmem_shared>>
      %dma_start3A_87 = arith.constant 0 : i32
      %dma_start3A_88 = tpu.memref_slice %arg14[%add3A_72, %dma_start3A_87] : memref<10240x64xf32, #tpu.memory_space<vmem_shared>> -> memref<128x64xf32, #tpu.memory_space<vmem_shared>>
      tpu.enqueue_dma source(%dma_start3A_88 : memref<128x64xf32, #tpu.memory_space<vmem_shared>>) target(%arg11 : memref<128x64xf32, #tpu.memory_space<vmem>>) target_semaphore(%run_scoped3A : memref<!tpu.dma_semaphore, #tpu.memory_space<semaphore_mem>>)
      %dma_wait3A = arith.constant 0 : i32
      %dma_wait3A_89 = tpu.memref_slice %arg14[%add3A_72, %dma_wait3A] : memref<10240x64xf32, #tpu.memory_space<vmem_shared>> -> memref<128x64xf32, #tpu.memory_space<vmem_shared>>
      %dma_wait3A_90 = arith.constant 0 : i32
      %dma_wait3A_91 = tpu.memref_slice %arg14[%add3A_72, %dma_wait3A_90] : memref<10240x64xf32, #tpu.memory_space<vmem_shared>> -> memref<128x64xf32, #tpu.memory_space<vmem_shared>>
      tpu.wait_dma2 semaphore(%run_scoped3A : memref<!tpu.dma_semaphore, #tpu.memory_space<semaphore_mem>>) src(%dma_wait3A_91 : memref<128x64xf32, #tpu.memory_space<vmem_shared>>) dst(%arg11 : memref<128x64xf32, #tpu.memory_space<vmem>>)
      tpu.yield
    }) : () -> ()
    "tpu.region"() ({
      %run_scoped3A = tpu.sem_alloc : memref<!tpu.dma_semaphore, #tpu.memory_space<semaphore_mem>>
      %dma_start3A = arith.constant 0 : i32
      %dma_start3A_86 = tpu.memref_slice %arg6[%arg0, %add3A_72, %dma_start3A] : memref<2x10240x64xf32, #tpu.memory_space<hbm>> -> memref<1x128x64xf32, #tpu.memory_space<hbm>>
      %dma_start3A_87 = tpu.memref_squeeze %dma_start3A_86 : memref<1x128x64xf32, #tpu.memory_space<hbm>> -> memref<128x64xf32, #tpu.memory_space<hbm>>
      %dma_start3A_88 = arith.constant 0 : i32
      %dma_start3A_89 = tpu.memref_slice %arg6[%arg0, %add3A_72, %dma_start3A_88] : memref<2x10240x64xf32, #tpu.memory_space<hbm>> -> memref<1x128x64xf32, #tpu.memory_space<hbm>>
      %dma_start3A_90 = tpu.memref_squeeze %dma_start3A_89 : memref<1x128x64xf32, #tpu.memory_space<hbm>> -> memref<128x64xf32, #tpu.memory_space<hbm>>
      tpu.enqueue_dma source(%arg11 : memref<128x64xf32, #tpu.memory_space<vmem>>) target(%dma_start3A_90 : memref<128x64xf32, #tpu.memory_space<hbm>>) target_semaphore(%run_scoped3A : memref<!tpu.dma_semaphore, #tpu.memory_space<semaphore_mem>>)
      %dma_wait3A = arith.constant 0 : i32
      %dma_wait3A_91 = tpu.memref_slice %arg6[%arg0, %add3A_72, %dma_wait3A] : memref<2x10240x64xf32, #tpu.memory_space<hbm>> -> memref<1x128x64xf32, #tpu.memory_space<hbm>>
      %dma_wait3A_92 = tpu.memref_squeeze %dma_wait3A_91 : memref<1x128x64xf32, #tpu.memory_space<hbm>> -> memref<128x64xf32, #tpu.memory_space<hbm>>
      %dma_wait3A_93 = arith.constant 0 : i32
      %dma_wait3A_94 = tpu.memref_slice %arg6[%arg0, %add3A_72, %dma_wait3A_93] : memref<2x10240x64xf32, #tpu.memory_space<hbm>> -> memref<1x128x64xf32, #tpu.memory_space<hbm>>
      %dma_wait3A_95 = tpu.memref_squeeze %dma_wait3A_94 : memref<1x128x64xf32, #tpu.memory_space<hbm>> -> memref<128x64xf32, #tpu.memory_space<hbm>>
      tpu.wait_dma2 semaphore(%run_scoped3A : memref<!tpu.dma_semaphore, #tpu.memory_space<semaphore_mem>>) src(%arg11 : memref<128x64xf32, #tpu.memory_space<vmem>>) dst(%dma_wait3A_95 : memref<128x64xf32, #tpu.memory_space<hbm>>)
      tpu.yield
    }) : () -> ()
    %mul3A_73 = arith.constant 640 : i32
    %mul3A_74 = arith.muli %arg1, %mul3A_73 : i32
    %add3A_75 = arith.constant 384 : i32
    %add3A_76 = arith.addi %mul3A_74, %add3A_75 : i32
    "tpu.region"() ({
      %run_scoped3A = tpu.sem_alloc : memref<!tpu.dma_semaphore, #tpu.memory_space<semaphore_mem>>
      %dma_start3A = arith.constant 0 : i32
      %dma_start3A_86 = tpu.memref_slice %arg14[%add3A_76, %dma_start3A] : memref<10240x64xf32, #tpu.memory_space<vmem_shared>> -> memref<128x64xf32, #tpu.memory_space<vmem_shared>>
      %dma_start3A_87 = arith.constant 0 : i32
      %dma_start3A_88 = tpu.memref_slice %arg14[%add3A_76, %dma_start3A_87] : memref<10240x64xf32, #tpu.memory_space<vmem_shared>> -> memref<128x64xf32, #tpu.memory_space<vmem_shared>>
      tpu.enqueue_dma source(%dma_start3A_88 : memref<128x64xf32, #tpu.memory_space<vmem_shared>>) target(%arg11 : memref<128x64xf32, #tpu.memory_space<vmem>>) target_semaphore(%run_scoped3A : memref<!tpu.dma_semaphore, #tpu.memory_space<semaphore_mem>>)
      %dma_wait3A = arith.constant 0 : i32
      %dma_wait3A_89 = tpu.memref_slice %arg14[%add3A_76, %dma_wait3A] : memref<10240x64xf32, #tpu.memory_space<vmem_shared>> -> memref<128x64xf32, #tpu.memory_space<vmem_shared>>
      %dma_wait3A_90 = arith.constant 0 : i32
      %dma_wait3A_91 = tpu.memref_slice %arg14[%add3A_76, %dma_wait3A_90] : memref<10240x64xf32, #tpu.memory_space<vmem_shared>> -> memref<128x64xf32, #tpu.memory_space<vmem_shared>>
      tpu.wait_dma2 semaphore(%run_scoped3A : memref<!tpu.dma_semaphore, #tpu.memory_space<semaphore_mem>>) src(%dma_wait3A_91 : memref<128x64xf32, #tpu.memory_space<vmem_shared>>) dst(%arg11 : memref<128x64xf32, #tpu.memory_space<vmem>>)
      tpu.yield
    }) : () -> ()
    "tpu.region"() ({
      %run_scoped3A = tpu.sem_alloc : memref<!tpu.dma_semaphore, #tpu.memory_space<semaphore_mem>>
      %dma_start3A = arith.constant 0 : i32
      %dma_start3A_86 = tpu.memref_slice %arg6[%arg0, %add3A_76, %dma_start3A] : memref<2x10240x64xf32, #tpu.memory_space<hbm>> -> memref<1x128x64xf32, #tpu.memory_space<hbm>>
      %dma_start3A_87 = tpu.memref_squeeze %dma_start3A_86 : memref<1x128x64xf32, #tpu.memory_space<hbm>> -> memref<128x64xf32, #tpu.memory_space<hbm>>
      %dma_start3A_88 = arith.constant 0 : i32
      %dma_start3A_89 = tpu.memref_slice %arg6[%arg0, %add3A_76, %dma_start3A_88] : memref<2x10240x64xf32, #tpu.memory_space<hbm>> -> memref<1x128x64xf32, #tpu.memory_space<hbm>>
      %dma_start3A_90 = tpu.memref_squeeze %dma_start3A_89 : memref<1x128x64xf32, #tpu.memory_space<hbm>> -> memref<128x64xf32, #tpu.memory_space<hbm>>
      tpu.enqueue_dma source(%arg11 : memref<128x64xf32, #tpu.memory_space<vmem>>) target(%dma_start3A_90 : memref<128x64xf32, #tpu.memory_space<hbm>>) target_semaphore(%run_scoped3A : memref<!tpu.dma_semaphore, #tpu.memory_space<semaphore_mem>>)
      %dma_wait3A = arith.constant 0 : i32
      %dma_wait3A_91 = tpu.memref_slice %arg6[%arg0, %add3A_76, %dma_wait3A] : memref<2x10240x64xf32, #tpu.memory_space<hbm>> -> memref<1x128x64xf32, #tpu.memory_space<hbm>>
      %dma_wait3A_92 = tpu.memref_squeeze %dma_wait3A_91 : memref<1x128x64xf32, #tpu.memory_space<hbm>> -> memref<128x64xf32, #tpu.memory_space<hbm>>
      %dma_wait3A_93 = arith.constant 0 : i32
      %dma_wait3A_94 = tpu.memref_slice %arg6[%arg0, %add3A_76, %dma_wait3A_93] : memref<2x10240x64xf32, #tpu.memory_space<hbm>> -> memref<1x128x64xf32, #tpu.memory_space<hbm>>
      %dma_wait3A_95 = tpu.memref_squeeze %dma_wait3A_94 : memref<1x128x64xf32, #tpu.memory_space<hbm>> -> memref<128x64xf32, #tpu.memory_space<hbm>>
      tpu.wait_dma2 semaphore(%run_scoped3A : memref<!tpu.dma_semaphore, #tpu.memory_space<semaphore_mem>>) src(%arg11 : memref<128x64xf32, #tpu.memory_space<vmem>>) dst(%dma_wait3A_95 : memref<128x64xf32, #tpu.memory_space<hbm>>)
      tpu.yield
    }) : () -> ()
    %mul3A_77 = arith.constant 640 : i32
    %mul3A_78 = arith.muli %arg1, %mul3A_77 : i32
    %add3A_79 = arith.constant 512 : i32
    %add3A_80 = arith.addi %mul3A_78, %add3A_79 : i32
    "tpu.region"() ({
      %run_scoped3A = tpu.sem_alloc : memref<!tpu.dma_semaphore, #tpu.memory_space<semaphore_mem>>
      %dma_start3A = arith.constant 0 : i32
      %dma_start3A_86 = tpu.memref_slice %arg14[%add3A_80, %dma_start3A] : memref<10240x64xf32, #tpu.memory_space<vmem_shared>> -> memref<128x64xf32, #tpu.memory_space<vmem_shared>>
      %dma_start3A_87 = arith.constant 0 : i32
      %dma_start3A_88 = tpu.memref_slice %arg14[%add3A_80, %dma_start3A_87] : memref<10240x64xf32, #tpu.memory_space<vmem_shared>> -> memref<128x64xf32, #tpu.memory_space<vmem_shared>>
      tpu.enqueue_dma source(%dma_start3A_88 : memref<128x64xf32, #tpu.memory_space<vmem_shared>>) target(%arg11 : memref<128x64xf32, #tpu.memory_space<vmem>>) target_semaphore(%run_scoped3A : memref<!tpu.dma_semaphore, #tpu.memory_space<semaphore_mem>>)
      %dma_wait3A = arith.constant 0 : i32
      %dma_wait3A_89 = tpu.memref_slice %arg14[%add3A_80, %dma_wait3A] : memref<10240x64xf32, #tpu.memory_space<vmem_shared>> -> memref<128x64xf32, #tpu.memory_space<vmem_shared>>
      %dma_wait3A_90 = arith.constant 0 : i32
      %dma_wait3A_91 = tpu.memref_slice %arg14[%add3A_80, %dma_wait3A_90] : memref<10240x64xf32, #tpu.memory_space<vmem_shared>> -> memref<128x64xf32, #tpu.memory_space<vmem_shared>>
      tpu.wait_dma2 semaphore(%run_scoped3A : memref<!tpu.dma_semaphore, #tpu.memory_space<semaphore_mem>>) src(%dma_wait3A_91 : memref<128x64xf32, #tpu.memory_space<vmem_shared>>) dst(%arg11 : memref<128x64xf32, #tpu.memory_space<vmem>>)
      tpu.yield
    }) : () -> ()
    "tpu.region"() ({
      %run_scoped3A = tpu.sem_alloc : memref<!tpu.dma_semaphore, #tpu.memory_space<semaphore_mem>>
      %dma_start3A = arith.constant 0 : i32
      %dma_start3A_86 = tpu.memref_slice %arg6[%arg0, %add3A_80, %dma_start3A] : memref<2x10240x64xf32, #tpu.memory_space<hbm>> -> memref<1x128x64xf32, #tpu.memory_space<hbm>>
      %dma_start3A_87 = tpu.memref_squeeze %dma_start3A_86 : memref<1x128x64xf32, #tpu.memory_space<hbm>> -> memref<128x64xf32, #tpu.memory_space<hbm>>
      %dma_start3A_88 = arith.constant 0 : i32
      %dma_start3A_89 = tpu.memref_slice %arg6[%arg0, %add3A_80, %dma_start3A_88] : memref<2x10240x64xf32, #tpu.memory_space<hbm>> -> memref<1x128x64xf32, #tpu.memory_space<hbm>>
      %dma_start3A_90 = tpu.memref_squeeze %dma_start3A_89 : memref<1x128x64xf32, #tpu.memory_space<hbm>> -> memref<128x64xf32, #tpu.memory_space<hbm>>
      tpu.enqueue_dma source(%arg11 : memref<128x64xf32, #tpu.memory_space<vmem>>) target(%dma_start3A_90 : memref<128x64xf32, #tpu.memory_space<hbm>>) target_semaphore(%run_scoped3A : memref<!tpu.dma_semaphore, #tpu.memory_space<semaphore_mem>>)
      %dma_wait3A = arith.constant 0 : i32
      %dma_wait3A_91 = tpu.memref_slice %arg6[%arg0, %add3A_80, %dma_wait3A] : memref<2x10240x64xf32, #tpu.memory_space<hbm>> -> memref<1x128x64xf32, #tpu.memory_space<hbm>>
      %dma_wait3A_92 = tpu.memref_squeeze %dma_wait3A_91 : memref<1x128x64xf32, #tpu.memory_space<hbm>> -> memref<128x64xf32, #tpu.memory_space<hbm>>
      %dma_wait3A_93 = arith.constant 0 : i32
      %dma_wait3A_94 = tpu.memref_slice %arg6[%arg0, %add3A_80, %dma_wait3A_93] : memref<2x10240x64xf32, #tpu.memory_space<hbm>> -> memref<1x128x64xf32, #tpu.memory_space<hbm>>
      %dma_wait3A_95 = tpu.memref_squeeze %dma_wait3A_94 : memref<1x128x64xf32, #tpu.memory_space<hbm>> -> memref<128x64xf32, #tpu.memory_space<hbm>>
      tpu.wait_dma2 semaphore(%run_scoped3A : memref<!tpu.dma_semaphore, #tpu.memory_space<semaphore_mem>>) src(%arg11 : memref<128x64xf32, #tpu.memory_space<vmem>>) dst(%dma_wait3A_95 : memref<128x64xf32, #tpu.memory_space<hbm>>)
      tpu.yield
    }) : () -> ()
    %eq3A_81 = arith.constant 0 : i32
    %eq3A_82 = arith.cmpi eq, %arg0, %eq3A_81 : i32
    %convert_element_type3A_83 = arith.extui %eq3A_82 : i1 to i32
    %cond3A_84 = arith.constant 0 : i32
    %cond3A_85 = arith.cmpi ne, %convert_element_type3A_83, %cond3A_84 : i32
    scf.if %cond3A_85 {
      %mul3A_86 = arith.constant 640 : i32
      %mul3A_87 = arith.muli %arg1, %mul3A_86 : i32
      "tpu.region"() ({
        %run_scoped3A = tpu.sem_alloc : memref<!tpu.dma_semaphore, #tpu.memory_space<semaphore_mem>>
        %dma_start3A = tpu.memref_slice %arg15[%mul3A_87] : memref<10240xf32, #tpu.memory_space<vmem_shared>> -> memref<640xf32, #tpu.memory_space<vmem_shared>>
        %dma_start3A_90 = tpu.memref_slice %arg15[%mul3A_87] : memref<10240xf32, #tpu.memory_space<vmem_shared>> -> memref<640xf32, #tpu.memory_space<vmem_shared>>
        tpu.enqueue_dma source(%dma_start3A_90 : memref<640xf32, #tpu.memory_space<vmem_shared>>) target(%arg12 : memref<640xf32, #tpu.memory_space<vmem>>) target_semaphore(%run_scoped3A : memref<!tpu.dma_semaphore, #tpu.memory_space<semaphore_mem>>)
        %dma_wait3A = tpu.memref_slice %arg15[%mul3A_87] : memref<10240xf32, #tpu.memory_space<vmem_shared>> -> memref<640xf32, #tpu.memory_space<vmem_shared>>
        %dma_wait3A_91 = tpu.memref_slice %arg15[%mul3A_87] : memref<10240xf32, #tpu.memory_space<vmem_shared>> -> memref<640xf32, #tpu.memory_space<vmem_shared>>
        tpu.wait_dma2 semaphore(%run_scoped3A : memref<!tpu.dma_semaphore, #tpu.memory_space<semaphore_mem>>) src(%dma_wait3A_91 : memref<640xf32, #tpu.memory_space<vmem_shared>>) dst(%arg12 : memref<640xf32, #tpu.memory_space<vmem>>)
        tpu.yield
      }) : () -> ()
      %mul3A_88 = arith.constant 640 : i32
      %mul3A_89 = arith.muli %arg1, %mul3A_88 : i32
      "tpu.region"() ({
        %run_scoped3A = tpu.sem_alloc : memref<!tpu.dma_semaphore, #tpu.memory_space<semaphore_mem>>
        %dma_start3A = tpu.memref_slice %arg7[%mul3A_89] : memref<10240xf32, #tpu.memory_space<hbm>> -> memref<640xf32, #tpu.memory_space<hbm>>
        %dma_start3A_90 = tpu.memref_slice %arg7[%mul3A_89] : memref<10240xf32, #tpu.memory_space<hbm>> -> memref<640xf32, #tpu.memory_space<hbm>>
        tpu.enqueue_dma source(%arg12 : memref<640xf32, #tpu.memory_space<vmem>>) target(%dma_start3A_90 : memref<640xf32, #tpu.memory_space<hbm>>) target_semaphore(%run_scoped3A : memref<!tpu.dma_semaphore, #tpu.memory_space<semaphore_mem>>)
        %dma_wait3A = tpu.memref_slice %arg7[%mul3A_89] : memref<10240xf32, #tpu.memory_space<hbm>> -> memref<640xf32, #tpu.memory_space<hbm>>
        %dma_wait3A_91 = tpu.memref_slice %arg7[%mul3A_89] : memref<10240xf32, #tpu.memory_space<hbm>> -> memref<640xf32, #tpu.memory_space<hbm>>
        tpu.wait_dma2 semaphore(%run_scoped3A : memref<!tpu.dma_semaphore, #tpu.memory_space<semaphore_mem>>) src(%arg12 : memref<640xf32, #tpu.memory_space<vmem>>) dst(%dma_wait3A_91 : memref<640xf32, #tpu.memory_space<hbm>>)
        tpu.yield
      }) : () -> ()
    } else {
    }
    return
  }
}

module attributes {stable_mosaic.version = 14 : i64} {
  func.func @_tc_body(%arg0: memref<10000x128xf32, #tpu.memory_space<vmem>>, %arg1: memref<2x10240x64xf32, #tpu.memory_space<vmem>>, %arg2: memref<10000x1xf32, #tpu.memory_space<vmem>>, %arg3: memref<128x128xf32, #tpu.memory_space<vmem>>, %arg4: memref<128x64xf32, #tpu.memory_space<vmem>>, %arg5: memref<128x64xf32, #tpu.memory_space<vmem>>, %arg6: memref<1x128xf32, #tpu.memory_space<vmem>>, %arg7: memref<10000x128xf32, #tpu.memory_space<vmem>>) attributes {dimension_semantics = [], scalar_prefetch = 0 : i64, scratch_operands = 0 : i64, tpu.core_type = #tpu.core_type<tc>} {
    %get3A = arith.constant 0 : index
    %get3A_0 = arith.constant 0 : index
    %get3A_1 = vector.load %arg0[%get3A, %get3A_0] : memref<10000x128xf32, #tpu.memory_space<vmem>>, vector<10000x128xf32>
    %get3A_2 = arith.constant 0 : index
    %get3A_3 = arith.constant 0 : index
    %get3A_4 = vector.load %arg2[%get3A_2, %get3A_3] : memref<10000x1xf32, #tpu.memory_space<vmem>>, vector<10000x1xf32>
    %max3A = arith.constant 1.000000e+00 : f32
    %max3A_5 = vector.broadcast %max3A : f32 to vector<10000x1xf32>
    %max3A_6 = arith.maximumf %get3A_4, %max3A_5 : vector<10000x1xf32>
    %div3A = arith.constant 1.000000e+00 : f32
    %div3A_7 = vector.broadcast %div3A : f32 to vector<10000x1xf32>
    %div3A_8 = arith.divf %div3A_7, %max3A_6 : vector<10000x1xf32>
    %get3A_9 = arith.constant 0 : index
    %get3A_10 = arith.constant 0 : index
    %get3A_11 = arith.constant 0 : index
    %get3A_12 = vector.load %arg1[%get3A_9, %get3A_10, %get3A_11] : memref<2x10240x64xf32, #tpu.memory_space<vmem>>, vector<1x10000x64xf32>
    %get3A_13 = vector.shape_cast %get3A_12 : vector<1x10000x64xf32> to vector<10000x64xf32>
    %mul3A = vector.broadcast %div3A_8 : vector<10000x1xf32> to vector<10000x64xf32>
    %mul3A_14 = arith.mulf %get3A_13, %mul3A : vector<10000x64xf32>
    %get3A_15 = arith.constant 1 : index
    %get3A_16 = arith.constant 0 : index
    %get3A_17 = arith.constant 0 : index
    %get3A_18 = vector.load %arg1[%get3A_15, %get3A_16, %get3A_17] : memref<2x10240x64xf32, #tpu.memory_space<vmem>>, vector<1x10000x64xf32>
    %get3A_19 = vector.shape_cast %get3A_18 : vector<1x10000x64xf32> to vector<10000x64xf32>
    %mul3A_20 = vector.broadcast %div3A_8 : vector<10000x1xf32> to vector<10000x64xf32>
    %mul3A_21 = arith.mulf %get3A_19, %mul3A_20 : vector<10000x64xf32>
    %get3A_22 = arith.constant 0 : index
    %get3A_23 = arith.constant 0 : index
    %get3A_24 = vector.load %arg3[%get3A_22, %get3A_23] : memref<128x128xf32, #tpu.memory_space<vmem>>, vector<128x128xf32>
    %dot_general3A = arith.constant dense<0.000000e+00> : vector<10000x128xf32>
    %dot_general3A_25 = tpu.matmul %get3A_1, %get3A_24, %dot_general3A {dimension_numbers = #tpu.dot_dimension_numbers<[1], [1], [0], [0], [0, 0, 1, 0], [], []>, transpose_lhs_hint = false} : vector<10000x128xf32>, vector<128x128xf32>, vector<10000x128xf32> -> vector<10000x128xf32>
    %get3A_26 = arith.constant 0 : index
    %get3A_27 = arith.constant 0 : index
    %get3A_28 = vector.load %arg4[%get3A_26, %get3A_27] : memref<128x64xf32, #tpu.memory_space<vmem>>, vector<128x64xf32>
    %dot_general3A_29 = arith.constant dense<0.000000e+00> : vector<10000x128xf32>
    %dot_general3A_30 = tpu.matmul %mul3A_14, %get3A_28, %dot_general3A_29 {dimension_numbers = #tpu.dot_dimension_numbers<[1], [1], [0], [0], [0, 0, 1, 0], [], []>, transpose_lhs_hint = false} : vector<10000x64xf32>, vector<128x64xf32>, vector<10000x128xf32> -> vector<10000x128xf32>
    %add3A = arith.addf %dot_general3A_25, %dot_general3A_30 : vector<10000x128xf32>
    %get3A_31 = arith.constant 0 : index
    %get3A_32 = arith.constant 0 : index
    %get3A_33 = vector.load %arg5[%get3A_31, %get3A_32] : memref<128x64xf32, #tpu.memory_space<vmem>>, vector<128x64xf32>
    %dot_general3A_34 = arith.constant dense<0.000000e+00> : vector<10000x128xf32>
    %dot_general3A_35 = tpu.matmul %mul3A_21, %get3A_33, %dot_general3A_34 {dimension_numbers = #tpu.dot_dimension_numbers<[1], [1], [0], [0], [0, 0, 1, 0], [], []>, transpose_lhs_hint = false} : vector<10000x64xf32>, vector<128x64xf32>, vector<10000x128xf32> -> vector<10000x128xf32>
    %add3A_36 = arith.addf %add3A, %dot_general3A_35 : vector<10000x128xf32>
    %get3A_37 = arith.constant 0 : index
    %get3A_38 = arith.constant 0 : index
    %get3A_39 = vector.load %arg6[%get3A_37, %get3A_38] : memref<1x128xf32, #tpu.memory_space<vmem>>, vector<1x128xf32>
    %add3A_40 = vector.broadcast %get3A_39 : vector<1x128xf32> to vector<10000x128xf32>
    %add3A_41 = arith.addf %add3A_36, %add3A_40 : vector<10000x128xf32>
    %swap3A = arith.constant 0 : index
    %swap3A_42 = arith.constant 0 : index
    %swap3A_43 = vector.load %arg7[%swap3A, %swap3A_42] : memref<10000x128xf32, #tpu.memory_space<vmem>>, vector<10000x128xf32>
    tpu.vector_store %arg7[%swap3A, %swap3A_42], %add3A_41 {strides = array<i32>} : memref<10000x128xf32, #tpu.memory_space<vmem>>, vector<10000x128xf32>,
    return
  }
}

</mosaic_0001>

<sc_bundles>
// kernel: kernel.4.cloned.1.call-start
scs
__scs_entry_jumppad:
0x0: {  	(pc) =	sbr.rel $0x88, $3  }
0x1: {  	(tag) =	ssettag $0x0;
	lr =	simm.s32 $0x1  }
0x2: {  	[smem:$0x3F9C] =	sst lr;
	_ =	strace $0xD0000000  }
0x3: {  	_ = 	snop  }
0x4: {  	_ = 	snop  }
0x5: {  	_ = 	snop  }
0x6: {  	_ = 	snop  }
0x7: {  	_ = 	snop  }
__scs_overlays_trampoline_lowered:
0x8: {  	[smem:$0x3FAB] =	sst s0  }
0x9: {  	[smem:$0x3FAC] =	sst s1  }
0xa: {  	[smem:$0x3FAD] =	sst s2  }
0xb: {  	[smem:$0x3FAE] =	sst s3  }
0xc: {  	[smem:$0x3FAF] =	sst s4  }
0xd: {  	[smem:$0x3FB0] =	sst s5  }
0xe: {  	[smem:$0x3FB1] =	sst s6  }
0xf: {  	[smem:$0x3FB2] =	sst s7  }
0x10: {  	[smem:$0x3FB3] =	sst s8  }
0x11: {  	[smem:$0x3FB4] =	sst s9;
	s0 =	simm.s32 @!p0 $0x0  }
0x12: {  	s1 =	sld [smem:$0x3F9A];
	s0 =	simm.s32 @p0 $0x1  }
0x13: {  	[smem:$0x3FB5] =	sst s0;
	s0 =	simm.s32 @!p1 $0x0  }
0x14: {  	s2 =	sld [smem:$0x3F99];
	s0 =	simm.s32 @p1 $0x1  }
0x15: {  	[smem:$0x3FB6] =	sst s0;
	s0 =	simm.s32 @!p2 $0x0  }
0x16: {  	s3 =	sld [smem:$0x3FDB];
	s0 =	simm.s32 @p2 $0x1  }
0x17: {  	s4 =	simm.s32 $0x1BF5;
	[smem:$0x3FB8] =	sst s0  }
0x18: {  	s0 =	sld [smem:$0x3F9B];
	_ =	swait.ge [sflag:s4], $0x0  }
0x19: {  	s7 =	sld [smem:$0x3F9C]  }
0x1a: {  	s8 =	sadd.s32 $0xFFFFE003, lr  }
0x1b: {  	s9 =	sadd.s32 $0xFFFFFEF7, lr;
	s5 =	simm.s32 $0xFFFFFFFF;
	p2 =	slt.u32 s8, $0xFFFFF086  }
0x1c: {  	p1 =	slt.u32 s9, $0xF7A;
	s5 =	simm.s32 @!p2 $0x0  }
0x1d: {  	s5 =	simm.s32 @p1 $0x1;
	p0 =	seq.s32 s7, s2  }
0x1e: {  	s7 =	smul.u32 @!p0 $0xF7A, s2;
	p2 =	seq.s32 @!p0 s5, $0x0  }
0x1f: {  	s9 =	smul.u32 $0xF7A, s1;
	s8 =	simm.s32 @!p0 $0x1BF5;
	p2 =	por !p2, p0  }
0x20: {  	[sflag:s8] =	ssyncset.s32 @!p0 $0xFFFFF086;
	s6 =	sadd.s32 @!p0 s3, s7;
	s7 =	simm.s32 @!p0 $0x108  }
0x21: {  	s3 =	sadd.s32 s3, s9;
	s6 =	sadd.s32 @!p0 $0x88, s6;
	s7 =	simm.s32 @p2 $0x1082  }
0x22: {  	[simem:s7], [sflag:s8] =	dma.local @!p0 [hbm:s6], $0xF7A  }
0x23: {  	s9 =	sor.u32 $0xD0000000, s2;
	s6 =	simm.s32 $0x108;
	_ =	swait.ge @!p0 [sflag:s8], $0x0  }
0x24: {  	s3 =	sadd.s32 $0x88, s3;
	s6 =	simm.s32 @!p1 $0x1082;
	[sflag:s4] =	ssyncset.s32 $0xFFFFF086  }
0x25: {  	[simem:s6], [sflag:s4] =	dma.local [hbm:s3], $0xF7A  }
0x26: {  	[smem:$0x3F9C] =	sst s1;
	(tag) =	ssettag s2;
	_ =	strace s9  }
0x27: {  	s1 =	sld [smem:$0x3FAC]  }
0x28: {  	s2 =	sld [smem:$0x3FAD]  }
0x29: {  	s4 =	sld [smem:$0x3FAF]  }
0x2a: {  	p0 =	seq.s32 s5, $0x0;
	s5 =	sld [smem:$0x3FB0]  }
0x2b: {  	s6 =	sld [smem:$0x3FB1]  }
0x2c: {  	s7 =	sld [smem:$0x3FB2]  }
0x2d: {  	s3 =	simm.s32 $0x108;
	s8 =	sld [smem:$0x3FB3]  }
0x2e: {  	s3 =	simm.s32 @!p0 $0x1082;
	s9 =	sld [smem:$0x3FB4]  }
0x2f: {  	lr =	sadd.s32 s0, s3;
	s0 =	sld [smem:$0x3FAB]  }
0x30: {  	s3 =	sld [smem:$0x3FAE]  }
0x31: {  	[smem:$0x3FB7] =	sst s10  }
0x32: {  	s10 =	sld [smem:$0x3FB5];
	_ =	sdelay $0x3  }
0x33: {  	p0 =	seq.s32 s10, $0x1;
	s10 =	sld [smem:$0x3FB7];
	_ =	sdelay $0x3  }
0x34: {  	[smem:$0x3FB7] =	sst s10  }
0x35: {  	s10 =	sld [smem:$0x3FB6];
	_ =	sdelay $0x3  }
0x36: {  	p1 =	seq.s32 s10, $0x1;
	s10 =	sld [smem:$0x3FB7];
	_ =	sdelay $0x3  }
0x37: {  	[smem:$0x3FB7] =	sst s10  }
0x38: {  	s10 =	sld [smem:$0x3FB8]  }
0x39: {  	_ = 	snop;
	(pc) =	sbr.ind lr, $3  }
0x3a: {  	_ = 	snop  }
0x3b: {  	_ = 	snop  }
0x3c: {  	p2 =	seq.s32 s10, $0x1;
	s10 =	sld [smem:$0x3FB7]  }
0x3d: {  	_ =	shalt  }
0x3e: {  	_ =	shalt  }
0x3f: {  	_ =	shalt  }
0x40: {  	_ =	shalt  }
0x41: {  	_ =	shalt  }
0x42: {  	_ =	shalt  }
0x43: {  	_ =	shalt  }
0x44: {  	_ =	shalt  }
0x45: {  	_ =	shalt  }
0x46: {  	_ =	shalt  }
0x47: {  	_ =	shalt  }
0x48: {  	_ =	shalt  }
0x49: {  	_ =	shalt  }
0x4a: {  	_ =	shalt  }
0x4b: {  	_ =	shalt  }
0x4c: {  	_ =	shalt  }
0x4d: {  	_ =	shalt  }
0x4e: {  	_ =	shalt  }
0x4f: {  	_ =	shalt  }
0x50: {  	_ =	shalt  }
0x51: {  	_ =	shalt  }
0x52: {  	_ =	shalt  }
0x53: {  	_ =	shalt  }
0x54: {  	_ =	shalt  }
0x55: {  	_ =	shalt  }
0x56: {  	_ =	shalt  }
0x57: {  	_ =	shalt  }
0x58: {  	_ =	shalt  }
0x59: {  	_ =	shalt  }
0x5a: {  	_ =	shalt  }
0x5b: {  	_ =	shalt  }
0x5c: {  	_ =	shalt  }
0x5d: {  	_ =	shalt  }
0x5e: {  	_ =	shalt  }
0x5f: {  	_ =	shalt  }
0x60: {  	_ =	shalt  }
0x61: {  	_ =	shalt  }
0x62: {  	_ =	shalt  }
0x63: {  	_ =	shalt  }
0x64: {  	_ =	shalt  }
0x65: {  	_ =	shalt  }
0x66: {  	_ =	shalt  }
0x67: {  	_ =	shalt  }
0x68: {  	_ =	shalt  }
0x69: {  	_ =	shalt  }
0x6a: {  	_ =	shalt  }
0x6b: {  	_ =	shalt  }
0x6c: {  	_ =	shalt  }
0x6d: {  	_ =	shalt  }
0x6e: {  	_ =	shalt  }
0x6f: {  	_ =	shalt  }
0x70: {  	_ =	shalt  }
0x71: {  	_ =	shalt  }
0x72: {  	_ =	shalt  }
0x73: {  	_ =	shalt  }
0x74: {  	_ =	shalt  }
0x75: {  	_ =	shalt  }
0x76: {  	_ =	shalt  }
0x77: {  	_ =	shalt  }
0x78: {  	_ =	shalt  }
0x79: {  	_ =	shalt  }
0x7a: {  	_ =	shalt  }
0x7b: {  	_ =	shalt  }
0x7c: {  	_ =	shalt  }
0x7d: {  	_ =	shalt  }
0x7e: {  	_ =	shalt  }
0x7f: {  	_ =	shalt  }
0x80: {  	_ =	shalt  }
0x81: {  	_ =	shalt  }
0x82: {  	_ =	shalt  }
0x83: {  	_ =	shalt  }
0x84: {  	_ =	shalt  }
0x85: {  	_ =	shalt  }
0x86: {  	_ =	shalt  }
0x87: {  	_ =	shalt  }
.Lfunc_end0:
.L_simem_size_0:
called_computation_lowered:
.L_overlay_start_0:
0x88: {  	s2 =	sld [smem:$0x3FD9]  }
0x89: {  	s3 =	sld [smem:$0x3FFE];
	_ =	sdelay $0x1  }
0x8a: {  	s1 =	srdreg.scid  }
0x8b: {  	s0 =	sand.u32 $0x1, s1  }
0x8c: {  	s17 =	sshll.u32 s0, $0xA;
	s2 =	sadd.s32 s3, s2  }
0x8d: {  	s2 =	sadd.s32 s2, s17  }
0x8e: {  	[smem:$0x3FC3] =	sst s2  }
0x8f: {  	_ = 	snop  }
0x90: {  	s2 =	sld [smem:$0x3FD0];
	(tm) =	ssettm $0x1  }
0x91: {  	s18 =	sld [smem:$0x3FFB];
	_ =	sdelay $0x3  }
0x92: {  	_ =	strace s18  }
0x93: {  	s3 =	sld [smem:$0x3FFC];
	_ =	sdelay $0x3  }
0x94: {  	_ =	strace s3  }
0x95: {  	s3 =	sld [smem:$0x3FFD];
	_ =	sdelay $0x3  }
0x96: {  	_ =	strace s3  }
0x97: {  	_ =	strace $0x8FFFFFFF  }
0x98: {  	s19 =	sld [smem:$0x3FDB];
	_ =	sdelay $0x1  }
0x99: {  	s4 =	simm.s32 $_scs_section_size  }
0x9a: {  	s5 =	simm.s32 $_size__tile_overlayer_lowered;
	s6 =	simm.s32 $_tile_overlayer_lowered  }
0x9b: {  	s22 =	simm.s32 $0x1BFF;
	s21 =	sshll.u32 s6, $0x1;
	s3 =	sadd.s32 s4, s19  }
0x9c: {  	s7 =	simm.s32 $0x0;
	s20 =	sshll.u32 s5, $0x1;
	s5 =	sadd.s32 s21, s3  }
0x9d: {  	[timem:s7], [sflag:s22] =	dma.local [hbm:s5], s20  }
0x9e: {  	_ =	swait.ge [sflag:s22], s20  }
0x9f: {  	s4 =	ssub.s32 $0x0, s20;
	[sflag:s22] =	ssyncset.done $0x0  }
0xa0: {  	[sflag:s22] =	ssyncadd.s32 s4;
	_ =	sdelay $0x1  }
0xa1: {  	s23 =	simm.s32 $0x1B8B  }
0xa2: {  	_ =	swait.ge [sflag:s23], $0x1  }
0xa3: {  	[sflag:s23] =	ssyncset.done $0x0  }
0xa4: {  	s25 =	simm.s32 $0x1B8E;
	s24 =	sld [smem:$0x3FFE];
	[sflag:s23] =	ssyncadd.s32 $0xFFFFFFFF  }
0xa5: {  	s26 =	simm.s32 $execute0_lowered;
	[smem:$0x3FD2] =	sst s25  }
0xa6: {  	s5 =	sshll.u32 s26, $0x1;
	_ =	strace $0x80000046;
	[dreg:$0x1] =	wrdreg $0xFFFFFFFF  }
0xa7: {  	s28 =	simm.s32 $_size_execute0_lowered;
	s3 =	sadd.s32 s3, s5;
	[dreg:$0x0] =	wrdreg $0x0  }
0xa8: {  	s5 =	sshll.u32 s28, $0x1;
	[dreg:$0x2] =	wrdreg s3  }
0xa9: {  	[dreg:$0x3] =	wrdreg s5  }
0xaa: {  	[dreg:$0x4] =	wrdreg $0xC0  }
0xab: {  	_ =	task [dreg:s7], $0x5FFFF  }
0xac: {  	[dreg:$0x1] =	wrdreg $0xFFFFFFFF  }
0xad: {  	[dreg:$0x0] =	wrdreg $0x60  }
0xae: {  	[dreg:$0x2] =	wrdreg s2  }
0xaf: {  	[dreg:$0x3] =	wrdreg s24  }
0xb0: {  	[dreg:$0x4] =	wrdreg $0xD3100  }
0xb1: {  	[dreg:$0x5] =	wrdreg $0x173100  }
0xb2: {  	[dreg:$0x6] =	wrdreg $0x9  }
0xb3: {  	_ =	task.clear_ibuf [dreg:s7], $0x7FFFF;
	_ =	strace $0x90000046  }
0xb4: {  	s29 =	simm.s32 $0x9;
	_ =	strace $0x80000048  }
0xb5: {  	_ =	swait.ge [sflag:s29], $0x1  }
0xb6: {  	[sflag:s29] =	ssyncadd.s32 $0xFFFFFFFF  }
0xb7: {  	_ =	strace $0x90000048  }
0xb8: {  	_ =	sfence  }
0xb9: {  	s30 =	sld [smem:$0x0];
	_ =	sdelay $0x2  }
0xba: {  	s31 =	sshll.u32 s1, $0xD;
	s1 =	sshrl.u32 s1, $0x2  }
0xbb: {  	s3 =	sand.u32 $0x4000, s31;
	s1 =	sadd.s32 s1, s30  }
0xbc: {  	s0 =	sor.u32 s3, s0;
	s1 =	sshll.u32 s1, $0x11  }
0xbd: {  	s0 =	sor.u32 s1, s0  }
0xbe: {  	s0 =	sadd.s32 $0x8F2B, s0  }
0xbf: {  	[sflag:s0] =	ssyncadd.remote.s32 $0x1  }
0xc0: {  	_ =	sfence.sel $0xFFFF  }
0xc1: {  	[dreg:$0x0] =	wrdreg $0xFFFFFFFF;
	(pc) =	sbr.abs _section_cstart, $3  }
0xc2: {  	[dreg:$0x1] =	wrdreg $0xFFFFFFFF  }
0xc3: {  	_ =	task.clear_ibuf [dreg:s7], $0x2FFFF;
	_ =	strace $0x9FFFFFFF  }
0xc4: {  	(tm) =	ssettm $0x7FFFFFFF  }
0xc5: {  	_ =	shalt  }
tec
execute0_lowered:
.L_overlay_start_1:
0x0: {  	(tag) =	ssettag $0x1  }
0x1: {  	s1 =	rddreg [dreg:$0x0]  }
0x2: {  	s0 =	rddreg [dreg:$0x1]  }
0x3: {  	s2 =	rddreg [dreg:$0x2]  }
0x4: {  	s4 =	rddreg [dreg:$0x3];
	s5 =	simm.s32 $0x0;
	s8 =	stileid.u32  }
0x5: {  	s7 =	srdreg.scid;
	s28 =	simm.s32 $0x9C40;
	s29 =	simm.s32 $0x1  }
0x6: {  	s30 =	simm.s32 $0xD2C0;
	s31 =	simm.s32 $0x0;
	s3 =	smul.u32 $0x9C4, s8  }
0x7: {  	[smem:$0x7FF] =	sst s5;
	s6 =	sadd.s32 $0x1600, s0;
	s12 =	smul.u32 $0x280, s8  }
0x8: {  	s22 =	sand.u32 $0x1, s7;
	s13 =	smul.u32 $0xA000, s8;
	s19 =	sadd.s32 $0x28C00, s0  }
0x9: {  	_ =	strace $0x80000047;
	s7 =	ssub.s32 $0x2, s22;
	s23 =	smul.u32 $0xA0000, s22  }
0xa: {  	p0 =	sne.s32 s22, $0x0;
	s22 =	simm.s32 $0xB040;
	s3 =	sadd.s32 s3, s0  }
0xb: {  	s16 =	sshrl.u32 s12, $0x3;
	s9 =	sshrl.u32 s7, $0x1;
	s14 =	sadd.s32 $0x2000, s13  }
0xc: {  	s17 =	sadd.s32 $0x4000, s13;
	s18 =	sadd.s32 $0x6000, s13;
	s20 =	sadd.s32 $0x8000, s13  }
0xd: {  	s12 =	sadd.s32 s12, s4;
	s0 =	sadd.s32 s16, s0;
	s21 =	ssub.s32 s7, s9  }
0xe: {  	s7 =	sadd.s32 s13, s2;
	s8 =	sadd.s32 s14, s2;
	s9 =	sadd.s32 s17, s2  }
0xf: {  	s10 =	sadd.s32 s18, s2;
	s11 =	sadd.s32 s20, s2;
	s15 =	sadd.s32 s13, s23  }
0x10: {  	s14 =	sadd.s32 s23, s14;
	s25 =	sadd.s32 $0x1EE00, s3;
	s17 =	sadd.s32 s23, s17  }
0x11: {  	s18 =	sadd.s32 s23, s18;
	s24 =	sadd.s32 s23, s20;
	s15 =	sshrl.u32 s15, $0x3  }
.Ltmp0:
0x12: {  	s16 =	sshrl.u32 s14, $0x3;
	s14 =	sadd.s32 $0x15000, s3;
	(pc) =	sbr.rel .LBB2_1-.Ltmp0, $4  }
0x13: {  	s3 =	sshrl.u32 s17, $0x3;
	s26 =	sshrl.u32 s18, $0x3;
	s23 =	sshrl.u32 s24, $0x3  }
0x14: {  	s20 =	sadd.s32 $0x50C00, s0;
	s21 =	smax.u32 s21, $0x1;
	s15 =	sadd.s32 s19, s15  }
0x15: {  	s16 =	sadd.s32 s19, s16;
	s17 =	sadd.s32 s19, s3;
	s18 =	sadd.s32 s19, s26  }
0x16: {  	v0 =	vimm.f32 $0.0e+00;
	v1 =	vimm.f32 $1.000000000e+00;
	s19 =	sadd.s32 s19, s23;
	s23 =	simm.s32 $0x2;
	s26 =	simm.s32 $0x50  }
.LBB2_11:
0x17: {  	s0 =	sshra.s32 s0, $0x2;
	[sflag:s23] =	ssyncadd.s32 $0xFFFFEC00  }
0x18: {  	[tilespmem:s28], [sflag:$0x1] =	stream.indirect.gather [hbm4b:s6+s26], $0x40, s0, s26, $0xb8;
	[tilespmem:$0x17590] =	vst v63  }
0x19: {  	_ =	swait.ge [sflag:s29], $0x1400  }
0x1a: {  	[sflag:s29] =	ssyncset.done $0x0  }
0x1b: {  	s0 =	sadd.s32 $0x4E20, s0;
	[sflag:s29] =	ssyncadd.s32 $0xFFFFEC00  }
0x1c: {  	[spmem:s2] =	stream.indirect.scatter.add.f32 [tilespmem:s28], [sflag:$0x2], $0x40, s0, s26, $0xb8;
	[tilespmem:$0x17590] =	vst v63  }
0x1d: {  	_ =	swait.ge [sflag:s23], $0x1400  }
0x1e: {  	[sflag:s23] =	ssyncset.done $0x0  }
0x1f: {  	[sflag:s23] =	ssyncadd.s32 $0xFFFFEC00  }
.LBB2_12:
0x20: {  	[bflag:$0x0] =	sbarrier.arrive $0xFFFF  }
0x21: {  	[tilespmem:s22], [sflag:$0x2] =	stream.linear.gather [spmem:s7], $0x2000, $0x38;
	[tilespmem:$0x17590] =	vst v63  }
0x22: {  	_ =	swait.ge [sflag:s23], $0x2000  }
0x23: {  	[sflag:s23] =	ssyncset.done $0x0  }
0x24: {  	[sflag:s23] =	ssyncadd.s32 $0xFFFFE000  }
0x25: {  	[hbm4b:s15+s5] =	stream.linear.scatter [tilespmem:s22], [sflag:$0x2], $0x2000, $0x38;
	[tilespmem:$0x17590] =	vst v63  }
0x26: {  	_ =	swait.ge [sflag:s23], $0x2000  }
0x27: {  	[sflag:s23] =	ssyncset.done $0x0  }
0x28: {  	[sflag:s23] =	ssyncadd.s32 $0xFFFFE000  }
0x29: {  	[tilespmem:s22], [sflag:$0x2] =	stream.linear.gather [spmem:s8], $0x2000, $0x38;
	[tilespmem:$0x17590] =	vst v63  }
0x2a: {  	_ =	swait.ge [sflag:s23], $0x2000  }
0x2b: {  	[sflag:s23] =	ssyncset.done $0x0  }
0x2c: {  	[sflag:s23] =	ssyncadd.s32 $0xFFFFE000  }
0x2d: {  	[hbm4b:s16+s5] =	stream.linear.scatter [tilespmem:s22], [sflag:$0x2], $0x2000, $0x38;
	[tilespmem:$0x17590] =	vst v63  }
0x2e: {  	_ =	swait.ge [sflag:s23], $0x2000  }
0x2f: {  	[sflag:s23] =	ssyncset.done $0x0  }
0x30: {  	[sflag:s23] =	ssyncadd.s32 $0xFFFFE000  }
0x31: {  	[tilespmem:s22], [sflag:$0x2] =	stream.linear.gather [spmem:s9], $0x2000, $0x38;
	[tilespmem:$0x17590] =	vst v63  }
0x32: {  	_ =	swait.ge [sflag:s23], $0x2000  }
0x33: {  	[sflag:s23] =	ssyncset.done $0x0  }
0x34: {  	[sflag:s23] =	ssyncadd.s32 $0xFFFFE000  }
0x35: {  	[hbm4b:s17+s5] =	stream.linear.scatter [tilespmem:s22], [sflag:$0x2], $0x2000, $0x38;
	[tilespmem:$0x17590] =	vst v63  }
0x36: {  	_ =	swait.ge [sflag:s23], $0x2000  }
0x37: {  	[sflag:s23] =	ssyncset.done $0x0  }
0x38: {  	[sflag:s23] =	ssyncadd.s32 $0xFFFFE000  }
0x39: {  	[tilespmem:s22], [sflag:$0x2] =	stream.linear.gather [spmem:s10], $0x2000, $0x38;
	[tilespmem:$0x17590] =	vst v63  }
0x3a: {  	_ =	swait.ge [sflag:s23], $0x2000  }
0x3b: {  	[sflag:s23] =	ssyncset.done $0x0  }
0x3c: {  	[sflag:s23] =	ssyncadd.s32 $0xFFFFE000  }
0x3d: {  	[hbm4b:s18+s5] =	stream.linear.scatter [tilespmem:s22], [sflag:$0x2], $0x2000, $0x38;
	[tilespmem:$0x17590] =	vst v63  }
0x3e: {  	_ =	swait.ge [sflag:s23], $0x2000  }
0x3f: {  	[sflag:s23] =	ssyncset.done $0x0  }
0x40: {  	[sflag:s23] =	ssyncadd.s32 $0xFFFFE000  }
0x41: {  	[tilespmem:s22], [sflag:$0x2] =	stream.linear.gather [spmem:s11], $0x2000, $0x38;
	[tilespmem:$0x17590] =	vst v63  }
0x42: {  	_ =	swait.ge [sflag:s23], $0x2000  }
0x43: {  	[sflag:s23] =	ssyncset.done $0x0  }
0x44: {  	[sflag:s23] =	ssyncadd.s32 $0xFFFFE000  }
0x45: {  	[hbm4b:s19+s5] =	stream.linear.scatter [tilespmem:s22], [sflag:$0x2], $0x2000, $0x38;
	[tilespmem:$0x17590] =	vst v63  }
0x46: {  	_ =	swait.ge [sflag:s23], $0x2000  }
0x47: {  	[sflag:s23] =	ssyncset.done $0x0  }
0x48: {  	s0 =	simm.s32 @!p0 $0xD040;
	s3 =	simm.s32 @!p0 $0x2;
	[sflag:s23] =	ssyncadd.s32 $0xFFFFE000  }
0x49: {  	[tilespmem:s0], [sflag:$0x2] =	stream.linear.gather @!p0 [spmem:s12], $0x280, $0x38;
	[tilespmem:$0x17590] =	vst v63  }
0x4a: {  	s31 =	sadd.s32 $0x1, s31;
	_ =	swait.ge @!p0 [sflag:s3], $0x280  }
0x4b: {  	p1 =	sne.s32 s31, s21;
	[sflag:s3] =	ssyncset.done @!p0 $0x0  }
.Ltmp1:
0x4c: {  	s13 =	simm.s32 @!p0 $0x0;
	[sflag:s3] =	ssyncadd.s32 @!p0 $0xFFFFFD80;
	(pc) =	sbr.rel @!p1 .LBB2_13-.Ltmp1, $4  }
0x4d: {  	[hbm4b:s20+s13] =	stream.linear.scatter @!p0 [tilespmem:s0], [sflag:$0x2], $0x280, $0x38;
	[tilespmem:$0x17590] =	vst v63  }
0x4e: {  	_ =	swait.ge @!p0 [sflag:s3], $0x280  }
0x4f: {  	[sflag:s3] =	ssyncset.done @!p0 $0x0  }
0x50: {  	[sflag:s3] =	ssyncadd.s32 @!p0 $0xFFFFFD80  }
.LBB2_1:
0x51: {  	s3 =	simm.s32 $0x100;
	s0 =	simm.s32 $0x0  }
.LBB2_2:
0x52: {  	p1 =	sne.s32 s3, $0x7F00;
	[tilespmem:s0+$0xB070] =	vst v0;
	s24 =	smov.u32 s3;
	s3 =	sadd.s32 $0x100, s3  }
.Ltmp2:
0x53: {  	[tilespmem:s0+$0xB060] =	vst v0;
	(pc) =	sbr.rel @p1 .LBB2_2-.Ltmp2, $3  }
0x54: {  	[tilespmem:s0+$0xB040] =	vst v0  }
0x55: {  	[tilespmem:s0+$0xB050] =	vst v0;
	_ =	sdelay $0x1  }
0x56: {  	s0 =	sshra.s32 s24, $0x2  }
0x57: {  	[tilespmem:s0+$0xB070] =	vst v0  }
0x58: {  	[tilespmem:s0+$0xB060] =	vst v0  }
0x59: {  	[tilespmem:s0+$0xB040] =	vst v0  }
0x5a: {  	[tilespmem:s0+$0xB050] =	vst v0  }
0x5b: {  	[tilespmem:$0xD040] =	vst v0  }
0x5c: {  	[tilespmem:$0xD050] =	vst v0  }
0x5d: {  	[tilespmem:$0xD060] =	vst v0  }
0x5e: {  	[tilespmem:$0xD070] =	vst v0  }
0x5f: {  	[tilespmem:$0xD080] =	vst v0  }
0x60: {  	[tilespmem:$0xD090] =	vst v0  }
0x61: {  	[tilespmem:$0xD0A0] =	vst v0  }
0x62: {  	[tilespmem:$0xD0B0] =	vst v0  }
0x63: {  	[tilespmem:$0xD0C0] =	vst v0  }
0x64: {  	[tilespmem:$0xD0D0] =	vst v0  }
0x65: {  	[tilespmem:$0xD0E0] =	vst v0  }
0x66: {  	[tilespmem:$0xD0F0] =	vst v0  }
0x67: {  	[tilespmem:$0xD100] =	vst v0  }
0x68: {  	[tilespmem:$0xD110] =	vst v0  }
0x69: {  	[tilespmem:$0xD120] =	vst v0  }
0x6a: {  	[tilespmem:$0xD130] =	vst v0  }
0x6b: {  	[tilespmem:$0xD140] =	vst v0  }
0x6c: {  	[tilespmem:$0xD150] =	vst v0  }
0x6d: {  	[tilespmem:$0xD160] =	vst v0  }
0x6e: {  	[tilespmem:$0xD170] =	vst v0  }
0x6f: {  	[tilespmem:$0xD180] =	vst v0  }
0x70: {  	[tilespmem:$0xD190] =	vst v0  }
0x71: {  	[tilespmem:$0xD1A0] =	vst v0  }
0x72: {  	[tilespmem:$0xD1B0] =	vst v0  }
0x73: {  	[tilespmem:$0xD1C0] =	vst v0  }
0x74: {  	[tilespmem:$0xD1D0] =	vst v0  }
0x75: {  	[tilespmem:$0xD1E0] =	vst v0  }
0x76: {  	[tilespmem:$0xD1F0] =	vst v0  }
0x77: {  	[tilespmem:$0xD200] =	vst v0  }
0x78: {  	[tilespmem:$0xD210] =	vst v0  }
0x79: {  	[tilespmem:$0xD220] =	vst v0  }
0x7a: {  	[tilespmem:$0xD230] =	vst v0  }
0x7b: {  	[tilespmem:$0xD240] =	vst v0  }
0x7c: {  	[tilespmem:$0xD250] =	vst v0  }
0x7d: {  	[tilespmem:$0xD260] =	vst v0  }
0x7e: {  	[tilespmem:$0xD270] =	vst v0  }
0x7f: {  	[tilespmem:$0xD280] =	vst v0  }
0x80: {  	[tilespmem:$0xD290] =	vst v0  }
0x81: {  	[tilespmem:$0xD2A0] =	vst v0  }
0x82: {  	[tilespmem:$0xD2B0] =	vst v0  }
0x83: {  	[tilespmem:$0xD2C0] =	vst v1  }
0x84: {  	[tilespmem:$0xD2D0] =	vst v1  }
0x85: {  	[tilespmem:$0xD2E0] =	vst v1  }
0x86: {  	[tilespmem:$0xD2F0] =	vst v1  }
0x87: {  	[tilespmem:$0xD300] =	vst v1  }
0x88: {  	[spmem:s7] =	stream.linear.scatter [tilespmem:s22], [sflag:$0x2], $0x2000, $0x38;
	[tilespmem:$0x17590] =	vst v63  }
0x89: {  	_ =	swait.ge [sflag:s23], $0x2000  }
0x8a: {  	[sflag:s23] =	ssyncset.done $0x0  }
0x8b: {  	[sflag:s23] =	ssyncadd.s32 $0xFFFFE000  }
0x8c: {  	[spmem:s8] =	stream.linear.scatter [tilespmem:s22], [sflag:$0x2], $0x2000, $0x38;
	[tilespmem:$0x17590] =	vst v63  }
0x8d: {  	_ =	swait.ge [sflag:s23], $0x2000  }
0x8e: {  	[sflag:s23] =	ssyncset.done $0x0  }
0x8f: {  	[sflag:s23] =	ssyncadd.s32 $0xFFFFE000  }
0x90: {  	[spmem:s9] =	stream.linear.scatter [tilespmem:s22], [sflag:$0x2], $0x2000, $0x38;
	[tilespmem:$0x17590] =	vst v63  }
0x91: {  	_ =	swait.ge [sflag:s23], $0x2000  }
0x92: {  	[sflag:s23] =	ssyncset.done $0x0  }
0x93: {  	[sflag:s23] =	ssyncadd.s32 $0xFFFFE000  }
0x94: {  	[spmem:s10] =	stream.linear.scatter [tilespmem:s22], [sflag:$0x2], $0x2000, $0x38;
	[tilespmem:$0x17590] =	vst v63  }
0x95: {  	_ =	swait.ge [sflag:s23], $0x2000  }
0x96: {  	[sflag:s23] =	ssyncset.done $0x0  }
0x97: {  	[sflag:s23] =	ssyncadd.s32 $0xFFFFE000  }
0x98: {  	[spmem:s11] =	stream.linear.scatter [tilespmem:s22], [sflag:$0x2], $0x2000, $0x38;
	[tilespmem:$0x17590] =	vst v63  }
0x99: {  	_ =	swait.ge [sflag:s23], $0x2000  }
0x9a: {  	[sflag:s23] =	ssyncset.done $0x0  }
0x9b: {  	s13 =	simm.s32 $0xD040;
	[sflag:s23] =	ssyncadd.s32 $0xFFFFE000  }
0x9c: {  	[spmem:s12] =	stream.linear.scatter [tilespmem:s13], [sflag:$0x2], $0x280, $0x38;
	[tilespmem:$0x17590] =	vst v63  }
0x9d: {  	_ =	swait.ge [sflag:s23], $0x280  }
0x9e: {  	[sflag:s23] =	ssyncset.done $0x0  }
0x9f: {  	[sflag:s23] =	ssyncadd.s32 $0xFFFFFD80  }
0xa0: {  	s24 =	simm.s32 $0x0;
	[bflag:$0x0] =	sbarrier.arrive $0xFFFF  }
0xa1: {  	[tilespmem:s24], [sflag:$0x2] =	stream.linear.gather [hbm4b:s25+s24], $0x4E20, $0x38;
	[tilespmem:$0x17590] =	vst v63  }
0xa2: {  	_ =	swait.ge [sflag:s23], $0x4E20  }
0xa3: {  	[sflag:s23] =	ssyncset.done $0x0  }
.Ltmp3:
0xa4: {  	s3 =	simm.s32 $0x4E20;
	[sflag:s23] =	ssyncadd.s32 $0xFFFFB1E0;
	(pc) =	sbr.rel @p0 .LBB2_9-.Ltmp3, $4  }
0xa5: {  	[tilespmem:s3], [sflag:$0x2] =	stream.linear.gather [hbm4b:s14+s24], $0x4E20, $0x38;
	[tilespmem:$0x17590] =	vst v63  }
0xa6: {  	_ =	swait.ge [sflag:s23], $0x4E20  }
0xa7: {  	[sflag:s23] =	ssyncset.done $0x0  }
0xa8: {  	[sflag:s23] =	ssyncadd.s32 $0xFFFFB1E0  }
0xa9: {  	s5 =	smov.u32 s12;
	s12 =	smov.u32 s11  }
0xaa: {  	s11 =	smov.u32 s10;
	s10 =	smov.u32 s9;
	s9 =	smov.u32 s8  }
0xab: {  	s8 =	smov.u32 s7;
	s7 =	smov.u32 s21;
	s21 =	smov.u32 s20  }
0xac: {  	s20 =	smov.u32 s19;
	s19 =	smov.u32 s18;
	s0 =	simm.s32 $0x0  }
0xad: {  	[tilespmem:s28], [sflag:$0x1] =	stream.indirect.gather [hbm4b:s1+s26], $0x40, s0, s26, $0xb8;
	[tilespmem:$0x17590] =	vst v63  }
0xae: {  	s18 =	smov.u32 s17;
	s17 =	smov.u32 s16;
	_ =	swait.ge [sflag:s29], $0x1400  }
0xaf: {  	s16 =	smov.u32 s15;
	s15 =	smov.u32 s14;
	[sflag:s29] =	ssyncset.done $0x0  }
0xb0: {  	s14 =	smov.u32 s25;
	s25 =	simm.s32 $0x4E20;
	[sflag:s29] =	ssyncadd.s32 $0xFFFFEC00  }
0xb1: {  	[spmem:s2] =	stream.indirect.scatter.add.f32 [tilespmem:s28], [sflag:$0x2], $0x40, s25, s26, $0xb8;
	[tilespmem:$0x17590] =	vst v63  }
0xb2: {  	s24 =	simm.s32 $0x280;
	_ =	swait.ge [sflag:s23], $0x1400  }
0xb3: {  	s3 =	simm.s32 $0x140;
	s0 =	simm.s32 $0x140;
	[sflag:s23] =	ssyncset.done $0x0  }
.LBB2_5:
0xb4: {  	s25 =	sshra.s32 s3, $0x2  }
0xb5: {  	[sflag:s23] =	ssyncadd.s32 $0xFFFFEC00;
	s3 =	smov.u32 s24;
	s13 =	sadd.s32 $0x140, s24  }
0xb6: {  	[tilespmem:s28], [sflag:$0x1] =	stream.indirect.gather [hbm4b:s1+s26], $0x40, s25, s26, $0xb8;
	[tilespmem:$0x17590] =	vst v63  }
0xb7: {  	p1 =	sne.s32 s24, $0x13740;
	_ =	swait.ge [sflag:s29], $0x1400  }
.Ltmp4:
0xb8: {  	[sflag:s29] =	ssyncset.done $0x0;
	(pc) =	sbr.rel @p1 .LBB2_5-.Ltmp4, $4  }
0xb9: {  	s24 =	sadd.s32 $0x4E20, s25;
	[sflag:s29] =	ssyncadd.s32 $0xFFFFEC00  }
0xba: {  	[spmem:s2] =	stream.indirect.scatter.add.f32 [tilespmem:s28], [sflag:$0x2], $0x40, s24, s26, $0xb8;
	[tilespmem:$0x17590] =	vst v63  }
0xbb: {  	_ =	swait.ge [sflag:s23], $0x1400  }
0xbc: {  	s24 =	smov.u32 s13;
	[sflag:s23] =	ssyncset.done $0x0  }
0xbd: {  	s3 =	sshra.s32 s3, $0x2;
	[sflag:s23] =	ssyncadd.s32 $0xFFFFEC00  }
0xbe: {  	[tilespmem:s28], [sflag:$0x1] =	stream.indirect.gather [hbm4b:s1+s26], $0x40, s3, s26, $0xb8;
	[tilespmem:$0x17590] =	vst v63  }
0xbf: {  	_ =	swait.ge [sflag:s29], $0x1400  }
0xc0: {  	[sflag:s29] =	ssyncset.done $0x0  }
0xc1: {  	s3 =	sadd.s32 $0x4E20, s3;
	[sflag:s29] =	ssyncadd.s32 $0xFFFFEC00  }
0xc2: {  	[spmem:s2] =	stream.indirect.scatter.add.f32 [tilespmem:s28], [sflag:$0x2], $0x40, s3, s26, $0xb8;
	[tilespmem:$0x17590] =	vst v63  }
0xc3: {  	_ =	swait.ge [sflag:s23], $0x1400  }
0xc4: {  	[sflag:s23] =	ssyncset.done $0x0  }
0xc5: {  	s25 =	simm.s32 $0x4E20;
	[sflag:s23] =	ssyncadd.s32 $0xFFFFEC00  }
0xc6: {  	[spmem:s4] =	stream.indirect.scatter.add.f32 [tilespmem:s30], [sflag:$0x2], $0x1, s25, s26, $0xb8;
	[tilespmem:$0x17590] =	vst v63  }
0xc7: {  	_ =	swait.ge [sflag:s23], $0x50  }
.LBB2_7:
0xc8: {  	s3 =	sshra.s32 s0, $0x2;
	[sflag:s23] =	ssyncset.done $0x0;
	p1 =	seq.s32 s0, $0x13740  }
.Ltmp5:
0xc9: {  	s3 =	sadd.s32 $0x4E20, s3;
	[sflag:s23] =	ssyncadd.s32 $0xFFFFFFB0;
	(pc) =	sbr.rel @!p1 .LBB2_7-.Ltmp5, $3  }
0xca: {  	[spmem:s4] =	stream.indirect.scatter.add.f32 [tilespmem:s30], [sflag:$0x2], $0x1, s3, s26, $0xb8;
	[tilespmem:$0x17590] =	vst v63  }
0xcb: {  	s0 =	sadd.s32 $0x140, s0;
	_ =	sdelay $0x1  }
0xcc: {  	_ =	swait.ge [sflag:s23], $0x50  }
0xcd: {  	[sflag:s23] =	ssyncset.done $0x0  }
0xce: {  	s25 =	smov.u32 s14;
	s14 =	smov.u32 s15;
	s15 =	smov.u32 s16  }
.Ltmp6:
0xcf: {  	s16 =	smov.u32 s17;
	s17 =	smov.u32 s18;
	(pc) =	sbr.rel .LBB2_12-.Ltmp6, $4  }
0xd0: {  	s18 =	smov.u32 s19;
	s19 =	smov.u32 s20;
	s20 =	smov.u32 s21  }
0xd1: {  	s21 =	smov.u32 s7;
	s7 =	smov.u32 s8;
	s8 =	smov.u32 s9  }
0xd2: {  	s9 =	smov.u32 s10;
	s10 =	smov.u32 s11;
	s11 =	smov.u32 s12  }
0xd3: {  	s12 =	smov.u32 s5;
	s5 =	simm.s32 $0x0;
	[sflag:s23] =	ssyncadd.s32 $0xFFFFFFB0  }
.LBB2_9:
0xd4: {  	s0 =	simm.s32 $0x0  }
0xd5: {  	[tilespmem:s28], [sflag:$0x1] =	stream.indirect.gather [hbm4b:s6+s26], $0x40, s0, s26, $0xb8;
	[tilespmem:$0x17590] =	vst v63  }
0xd6: {  	_ =	swait.ge [sflag:s29], $0x1400  }
0xd7: {  	[sflag:s29] =	ssyncset.done $0x0  }
0xd8: {  	s24 =	simm.s32 $0x4E20;
	[sflag:s29] =	ssyncadd.s32 $0xFFFFEC00  }
0xd9: {  	[spmem:s2] =	stream.indirect.scatter.add.f32 [tilespmem:s28], [sflag:$0x2], $0x40, s24, s26, $0xb8;
	[tilespmem:$0x17590] =	vst v63  }
0xda: {  	_ =	swait.ge [sflag:s23], $0x1400  }
0xdb: {  	s3 =	simm.s32 $0x280;
	s0 =	simm.s32 $0x140;
	[sflag:s23] =	ssyncset.done $0x0  }
.LBB2_10:
0xdc: {  	s13 =	sshra.s32 s0, $0x2  }
0xdd: {  	[sflag:s23] =	ssyncadd.s32 $0xFFFFEC00;
	s0 =	smov.u32 s3;
	s24 =	sadd.s32 $0x140, s3  }
0xde: {  	[tilespmem:s28], [sflag:$0x1] =	stream.indirect.gather [hbm4b:s6+s26], $0x40, s13, s26, $0xb8;
	[tilespmem:$0x17590] =	vst v63  }
0xdf: {  	p1 =	sne.s32 s3, $0x13740;
	_ =	swait.ge [sflag:s29], $0x1400  }
.Ltmp7:
0xe0: {  	[sflag:s29] =	ssyncset.done $0x0;
	(pc) =	sbr.rel @p1 .LBB2_10-.Ltmp7, $4  }
0xe1: {  	s3 =	sadd.s32 $0x4E20, s13;
	[sflag:s29] =	ssyncadd.s32 $0xFFFFEC00  }
0xe2: {  	[spmem:s2] =	stream.indirect.scatter.add.f32 [tilespmem:s28], [sflag:$0x2], $0x40, s3, s26, $0xb8;
	[tilespmem:$0x17590] =	vst v63  }
0xe3: {  	_ =	swait.ge [sflag:s23], $0x1400  }
0xe4: {  	s3 =	smov.u32 s24;
	[sflag:s23] =	ssyncset.done $0x0  }
.Ltmp8:
0xe5: {  	_ = 	snop;
	(pc) =	sbr.rel .LBB2_11-.Ltmp8, $1  }
0xe6: {  	_ =	sdelay $0x3  }
.LBB2_13:
0xe7: {  	_ =	sfence.sel $0x180000  }
0xe8: {  	[bflag:$0x0] =	sbarrier.arrive $0xFFFF  }
0xe9: {  	_ =	strace $0x90000047  }
0xea: {  	s0 =	stileid.u32;
	[bflag:$0x2] =	sbarrier.arrive $0xFFFF  }
0xeb: {  	p0 =	sne.s32 s0, $0x0;
	s0 =	rddreg [dreg:$0x4]  }
0xec: {  	s0 =	sadd.s32 @!p0 $0x100000, s0  }
0xed: {  	[sflag:s0] =	ssyncadd.tile.s32 @!p0 $0x1;
	_ =	shalt  }
.Lfunc_end2:
_tile_overlayer_lowered:
.L_overlay_start_2:
0xee: {  	(tag) =	ssettag $0x2  }
0xef: {  	s0 =	rddreg [dreg:$0x0];
	s2 =	stileid.u32  }
0xf0: {  	s1 =	rddreg [dreg:$0x1];
	p0 =	sne.s32 s2, $0x0  }
0xf1: {  	s3 =	rddreg [dreg:$0x2];
	[bflag:$0x3] =	sbarrier.arrive $0xFFFF;
	s2 =	simm.s32 @!p0 $0x1C02  }
0xf2: {  	[timem:s3], [sflag:s2] =	dma.local @!p0 [hbm:s0], s1  }
0xf3: {  	s0 =	simm.s32 @!p0 $0x2  }
0xf4: {  	_ =	swait.ge @!p0 [sflag:s0], s1  }
0xf5: {  	s1 =	ssub.s32 @!p0 $0x0, s1;
	[sflag:s0] =	ssyncset.done @!p0 $0x0  }
0xf6: {  	[sflag:s0] =	ssyncadd.s32 @!p0 s1  }
0xf7: {  	[bflag:$0x3] =	sbarrier.arrive $0xFFFF  }
0xf8: {  	_ =	shalt  }

</sc_bundles>
